<compile_context>
chip_gen: v7x
topology: tpu7x:2x2x1
jax: 0.10.2.dev20260603
libtpu: 0.0.44.dev20260713+nightly
codegen_flags: <defaults>
</compile_context>

<pallas_src>
import jax
import jax.numpy as jnp
from jax import lax
from jax.experimental import pallas as pl
from jax.experimental.pallas import tpu as pltpu
from jax.experimental.pallas import tpu_sc as plsc

N = 10000
E = 320000
IN_CH = 128
D1 = 128
D2 = 64

NC, NS, LANES = 2, 16, 16
CHUNK = 128
NCHUNK = 80
EPT = NCHUNK * CHUNK
E_PAD = EPT * NC * NS
ACC_ROWS = 10240
RPS = ACC_ROWS // NS

_mesh = plsc.VectorSubcoreMesh(core_axis_name="c", subcore_axis_name="s")


def _deg_body(dst_hbm, out_hbm, ibuf, hist):
    wid = lax.axis_index("c") * NS + lax.axis_index("s")

    @pl.loop(0, ACC_ROWS // LANES)
    def _(i):
        hist[pl.ds(i * LANES, LANES)] = jnp.zeros((LANES,), jnp.float32)

    ones = jnp.ones((LANES,), jnp.float32)
    pltpu.sync_copy(dst_hbm.at[wid], ibuf)

    @pl.loop(0, NCHUNK)
    def _(i):
        @pl.loop(0, CHUNK // LANES)
        def _(j):
            idx = ibuf[i, pl.ds(j * LANES, LANES)]
            plsc.addupdate_scatter(hist, [idx], ones)

    pltpu.sync_copy(hist, out_hbm.at[wid])


def _compute_deg_parts(dst3):
    return pl.kernel(
        _deg_body,
        out_type=jax.ShapeDtypeStruct((NC * NS, ACC_ROWS), jnp.float32),
        mesh=_mesh,
        scratch_types=[
            pltpu.VMEM((NCHUNK, CHUNK), jnp.int32),
            pltpu.VMEM((ACC_ROWS,), jnp.float32),
        ],
        compiler_params=pltpu.CompilerParams(needs_layout_passes=False),
    )(dst3)


def _make_agg_body(d):
    def body(h_hbm, src_hbm, dst_hbm, out_hbm, sidx, dbuf_a, dbuf_b, rows_a,
             rows_b, acc, sem_a, sem_b, sem_da, sem_db):
        cid = lax.axis_index("c")
        sid = lax.axis_index("s")
        tid = cid * NS + sid

        @pl.loop(0, CHUNK)
        def _(r):
            @pl.loop(0, d // LANES)
            def _(q):
                rows_a[r, pl.ds(q * LANES, LANES)] = jnp.zeros(
                    (LANES,), jnp.float32)

        @pl.loop(0, RPS // CHUNK)
        def _(k):
            pltpu.sync_copy(rows_a, acc.at[pl.ds(sid * RPS + k * CHUNK, CHUNK)])

        plsc.subcore_barrier()

        pltpu.sync_copy(src_hbm.at[tid], sidx)

        pltpu.async_copy(h_hbm.at[sidx.at[0]], rows_a, sem_a)
        pltpu.async_copy(dst_hbm.at[tid].at[0], dbuf_a.at[0], sem_da)

        @pl.loop(0, NCHUNK // 2)
        def _(k):
            i0 = 2 * k
            pltpu.async_copy(h_hbm.at[sidx.at[i0 + 1]], rows_b, sem_b)
            pltpu.async_copy(dst_hbm.at[tid].at[i0 + 1], dbuf_b.at[0], sem_db)
            pltpu.make_async_copy(h_hbm.at[sidx.at[i0]], rows_a, sem_a).wait()
            pltpu.make_async_copy(
                dst_hbm.at[tid].at[i0], dbuf_a.at[0], sem_da).wait()
            pltpu.sync_copy(rows_a, acc.at[dbuf_a.at[0]], add=True)

            @pl.when(k + 1 < NCHUNK // 2)
            def _():
                pltpu.async_copy(h_hbm.at[sidx.at[i0 + 2]], rows_a, sem_a)
                pltpu.async_copy(
                    dst_hbm.at[tid].at[i0 + 2], dbuf_a.at[0], sem_da)

            pltpu.make_async_copy(
                h_hbm.at[sidx.at[i0 + 1]], rows_b, sem_b).wait()
            pltpu.make_async_copy(
                dst_hbm.at[tid].at[i0 + 1], dbuf_b.at[0], sem_db).wait()
            pltpu.sync_copy(rows_b, acc.at[dbuf_b.at[0]], add=True)

        plsc.subcore_barrier()
        pltpu.sync_copy(
            acc.at[pl.ds(sid * RPS, RPS)],
            out_hbm.at[cid].at[pl.ds(sid * RPS, RPS)],
        )

    return body


def _sc_aggregate(h_pad, src3, dst3, d):
    return pl.kernel(
        _make_agg_body(d),
        out_type=jax.ShapeDtypeStruct((NC, ACC_ROWS, d), jnp.float32),
        mesh=_mesh,
        scratch_types=[
            pltpu.VMEM((NCHUNK, CHUNK), jnp.int32),
            pltpu.VMEM((1, CHUNK), jnp.int32),
            pltpu.VMEM((1, CHUNK), jnp.int32),
            pltpu.VMEM((CHUNK, d), jnp.float32),
            pltpu.VMEM((CHUNK, d), jnp.float32),
            pltpu.VMEM_SHARED((ACC_ROWS, d), jnp.float32),
            pltpu.SemaphoreType.DMA,
            pltpu.SemaphoreType.DMA,
            pltpu.SemaphoreType.DMA,
            pltpu.SemaphoreType.DMA,
        ],
        compiler_params=pltpu.CompilerParams(use_tc_tiling_on_sc=(d == 128)),
    )(h_pad, src3, dst3)


def _mm_body(x_ref, w_ref, o_ref):
    o_ref[...] = jnp.dot(x_ref[...], w_ref[...], preferred_element_type=jnp.float32)


def _dinv_body(parts_ref, o_ref):
    deg = jnp.sum(parts_ref[...], axis=0, keepdims=True) + 1.0
    o_ref[...] = lax.rsqrt(deg)


def _scale_body(h_ref, dinv_ref, o_ref):
    o_ref[...] = h_ref[...] * dinv_ref[...]


def _comb1_body(p_ref, hs_ref, dinv_ref, b1_ref, w2_ref, o_ref):
    agg = p_ref[0] + p_ref[1] + hs_ref[...]
    out1 = jnp.maximum(agg * dinv_ref[...] + b1_ref[...], 0.0)
    h2 = jnp.dot(out1, w2_ref[...], preferred_element_type=jnp.float32)
    mask = lax.broadcasted_iota(jnp.int32, (ACC_ROWS, 1), 0) < N
    o_ref[...] = jnp.where(mask, h2 * dinv_ref[...], 0.0)


def _comb2_body(p_ref, hs_ref, dinv_ref, b2_ref, o_ref):
    agg = p_ref[0] + p_ref[1] + hs_ref[...]
    o_ref[...] = agg * dinv_ref[...] + b2_ref[...]


def _sds(shape):
    return jax.ShapeDtypeStruct(shape, jnp.float32)


@jax.jit
def _run(x, edge_index, W1, b1, W2, b2):
    src = edge_index[0].astype(jnp.int32)
    dst = edge_index[1].astype(jnp.int32)
    pad = jnp.full((E_PAD - E,), N, jnp.int32)
    src3 = jnp.concatenate([src, pad]).reshape(NC * NS, NCHUNK, CHUNK)
    dst3 = jnp.concatenate([dst, pad]).reshape(NC * NS, NCHUNK, CHUNK)
    x_pad = jnp.pad(x, ((0, ACC_ROWS - N), (0, 0)))
    b1r = b1.reshape(1, D1)
    b2r = b2.reshape(1, D2)

    deg_parts = _compute_deg_parts(dst3)
    h1 = pl.pallas_call(_mm_body, out_shape=_sds((ACC_ROWS, D1)))(x_pad, W1)

    dinv_row = pl.pallas_call(_dinv_body, out_shape=_sds((1, ACC_ROWS)))(deg_parts)
    dinv = dinv_row.reshape(ACC_ROWS, 1)

    h1s = pl.pallas_call(_scale_body, out_shape=_sds((ACC_ROWS, D1)))(h1, dinv)
    p1 = _sc_aggregate(h1s, src3, dst3, D1)
    h2s = pl.pallas_call(_comb1_body, out_shape=_sds((ACC_ROWS, D2)))(
        p1, h1s, dinv, b1r, W2
    )
    p2 = _sc_aggregate(h2s, src3, dst3, D2)
    out = pl.pallas_call(_comb2_body, out_shape=_sds((ACC_ROWS, D2)))(
        p2, h2s, dinv, b2r
    )
    return out[:N]


def kernel(x, edge_index, W1, b1, W2, b2):
    return _run(x, edge_index, W1, b1, W2, b2)

# --- scband reference (transcript-rebuilt; emitter-appended) ---
"""Pipeline reference for scband-gcnencoder-71562745086177 (READ-ONLY COPY).

The authoritative reference and input builder live on the scoring server;
editing this copy changes nothing except your own understanding.
"""

import jax, jax.numpy as jnp
import numpy as np

N_NODES = 10000
N_EDGES = 320000
IN_CH = 128
LATENT = 64


def gcn_conv(x, edge_index, W, b):
    # GCNConv (Kipf & Welling) as in PyG defaults: add self-loops, symmetric norm
    N = x.shape[0]
    loop = jnp.arange(N, dtype=edge_index.dtype)
    src = jnp.concatenate([edge_index[0], loop])
    dst = jnp.concatenate([edge_index[1], loop])
    h = x @ W  # linear transform first (out_dim <= in_dim typical)
    deg = jnp.zeros((N,), dtype=h.dtype).at[dst].add(1.0)
    dinv = jnp.where(deg > 0, deg ** -0.5, 0.0)
    norm = dinv[src] * dinv[dst]
    msgs = h[src] * norm[:, None]
    out = jnp.zeros((N, h.shape[1]), dtype=h.dtype).at[dst].add(msgs)
    return out + b


def setup_inputs(seed: int = 0) -> dict:
    key = jax.random.key(seed)
    k1, k2, k3, k4, k5, k6 = jax.random.split(key, 6)
    x = jax.random.normal(k1, (N_NODES, IN_CH), dtype=jnp.float32)
    edge_index = jax.random.randint(k2, (2, N_EDGES), 0, N_NODES, dtype=jnp.int64)
    # conv1: in_channels -> latent_dim*2 ; conv2: latent_dim*2 -> latent_dim
    s1 = (6.0 / (IN_CH + LATENT * 2)) ** 0.5
    s2 = (6.0 / (LATENT * 2 + LATENT)) ** 0.5
    W1 = jax.random.uniform(k3, (IN_CH, LATENT * 2), minval=-s1, maxval=s1, dtype=jnp.float32)
    b1 = jnp.zeros((LATENT * 2,), dtype=jnp.float32)
    W2 = jax.random.uniform(k4, (LATENT * 2, LATENT), minval=-s2, maxval=s2, dtype=jnp.float32)
    b2 = jnp.zeros((LATENT,), dtype=jnp.float32)
    return {"x": x, "edge_index": edge_index, "W1": W1, "b1": b1, "W2": W2, "b2": b2}


def reference(x, edge_index, W1, b1, W2, b2):
    h = jax.nn.relu(gcn_conv(x, edge_index, W1, b1))
    # dropout p=0.0 / eval mode -> identity
    return gcn_conv(h, edge_index, W2, b2)

if __name__ == "__main__":
    import jax
    _d = setup_inputs()
    print(jax.jit(kernel)(*tuple(_d.values())))

</pallas_src>

<mosaic_0001>
#map = affine_map<(d0, d1) -> (0, 0)>
#map1 = affine_map<(d0, d1) -> (0, 0, 0)>
module attributes {stable_mosaic.version = 14 : i64} {
  func.func @body(%arg0: i32, %arg1: i32, %arg2: memref<10240x128xf32, #tpu.memory_space<hbm>>, %arg3: memref<32x80x128xi32, #tpu.memory_space<hbm>>, %arg4: memref<32x80x128xi32, #tpu.memory_space<hbm>>, %arg5: memref<2x10240x128xf32, #tpu.memory_space<hbm>>, %arg6: memref<80x128xi32, #tpu.memory_space<vmem>>, %arg7: memref<1x128xi32, #tpu.memory_space<vmem>>, %arg8: memref<1x128xi32, #tpu.memory_space<vmem>>, %arg9: memref<128x128xf32, #tpu.memory_space<vmem>>, %arg10: memref<128x128xf32, #tpu.memory_space<vmem>>, %arg11: memref<10240x128xf32, #tpu.memory_space<vmem_shared>>, %arg12: memref<!tpu.dma_semaphore, #tpu.memory_space<semaphore_mem>>, %arg13: memref<!tpu.dma_semaphore, #tpu.memory_space<semaphore_mem>>, %arg14: memref<!tpu.dma_semaphore, #tpu.memory_space<semaphore_mem>>, %arg15: memref<!tpu.dma_semaphore, #tpu.memory_space<semaphore_mem>>) attributes {dimension_semantics = [#tpu.dimension_semantics<core_parallel>, #tpu.dimension_semantics<subcore_parallel>], iteration_bounds = array<i64: 2, 16>, scalar_prefetch = 0 : i64, scratch_operands = 10 : i64, tpu.core_type = #tpu.core_type<sc_vector_subcore>, window_params = [{transform_indices = #map}, {transform_indices = #map1}, {transform_indices = #map1}, {transform_indices = #map1}]} {
    %mul3A = arith.constant 16 : i32
    %mul3A_0 = arith.muli %arg0, %mul3A : i32
    %add3A = arith.addi %mul3A_0, %arg1 : i32
    %scan3A = arith.constant 0 : i32
    %scan3A_1 = arith.constant 128 : i32
    %scan3A_2 = arith.addi %scan3A, %scan3A_1 : i32
    %scan3A_3 = arith.constant 1 : i32
    scf.for %scan3A_48 = %scan3A to %scan3A_2 step %scan3A_3  : i32 {
      %mul3A_49 = arith.constant 1 : i32
      %mul3A_50 = arith.muli %scan3A_48, %mul3A_49 : i32
      %add3A_51 = arith.constant 0 : i32
      %add3A_52 = arith.addi %add3A_51, %mul3A_50 : i32
      %scan3A_53 = arith.constant 0 : i32
      %scan3A_54 = arith.constant 8 : i32
      %scan3A_55 = arith.addi %scan3A_53, %scan3A_54 : i32
      %scan3A_56 = arith.constant 1 : i32
      scf.for %scan3A_58 = %scan3A_53 to %scan3A_55 step %scan3A_56  : i32 {
        %mul3A_59 = arith.constant 1 : i32
        %mul3A_60 = arith.muli %scan3A_58, %mul3A_59 : i32
        %add3A_61 = arith.constant 0 : i32
        %add3A_62 = arith.addi %add3A_61, %mul3A_60 : i32
        %broadcast_in_dim3A = arith.constant 0.000000e+00 : f32
        %broadcast_in_dim3A_63 = vector.broadcast %broadcast_in_dim3A : f32 to vector<16xf32>
        %mul3A_64 = arith.constant 16 : i32
        %mul3A_65 = arith.muli %add3A_62, %mul3A_64 : i32
        %swap3A = arith.index_cast %add3A_52 : i32 to index
        %swap3A_66 = arith.index_cast %mul3A_65 : i32 to index
        %swap3A_67 = tpu.vector_load %arg9[%swap3A, %swap3A_66] {strides = array<i32>} : memref<128x128xf32, #tpu.memory_space<vmem>>, vector<1x16xf32>,
        %swap3A_68 = vector.shape_cast %swap3A_67 : vector<1x16xf32> to vector<16xf32>
        %swap3A_69 = vector.shape_cast %broadcast_in_dim3A_63 : vector<16xf32> to vector<1x16xf32>
        tpu.vector_store %arg9[%swap3A, %swap3A_66], %swap3A_69 {strides = array<i32>} : memref<128x128xf32, #tpu.memory_space<vmem>>, vector<1x16xf32>,
      }
      %scan3A_57 = arith.constant 8 : i32
    }
    %scan3A_4 = arith.constant 128 : i32
    %scan3A_5 = arith.constant 0 : i32
    %scan3A_6 = arith.constant 5 : i32
    %scan3A_7 = arith.addi %scan3A_5, %scan3A_6 : i32
    %scan3A_8 = arith.constant 1 : i32
    scf.for %scan3A_48 = %scan3A_5 to %scan3A_7 step %scan3A_8  : i32 {
      %mul3A_49 = arith.constant 1 : i32
      %mul3A_50 = arith.muli %scan3A_48, %mul3A_49 : i32
      %add3A_51 = arith.constant 0 : i32
      %add3A_52 = arith.addi %add3A_51, %mul3A_50 : i32
      %mul3A_53 = arith.constant 640 : i32
      %mul3A_54 = arith.muli %arg1, %mul3A_53 : i32
      %mul3A_55 = arith.constant 128 : i32
      %mul3A_56 = arith.muli %add3A_52, %mul3A_55 : i32
      %add3A_57 = arith.addi %mul3A_54, %mul3A_56 : i32
      "tpu.region"() ({
        %run_scoped3A = tpu.sem_alloc : memref<!tpu.dma_semaphore, #tpu.memory_space<semaphore_mem>>
        %dma_start3A_58 = arith.constant 0 : i32
        %dma_start3A_59 = tpu.memref_slice %arg11[%add3A_57, %dma_start3A_58] : memref<10240x128xf32, #tpu.memory_space<vmem_shared>> -> memref<128x128xf32, #tpu.memory_space<vmem_shared>>
        %dma_start3A_60 = arith.constant 0 : i32
        %dma_start3A_61 = tpu.memref_slice %arg11[%add3A_57, %dma_start3A_60] : memref<10240x128xf32, #tpu.memory_space<vmem_shared>> -> memref<128x128xf32, #tpu.memory_space<vmem_shared>>
        tpu.enqueue_dma source(%arg9 : memref<128x128xf32, #tpu.memory_space<vmem>>) target(%dma_start3A_61 : memref<128x128xf32, #tpu.memory_space<vmem_shared>>) target_semaphore(%run_scoped3A : memref<!tpu.dma_semaphore, #tpu.memory_space<semaphore_mem>>)
        %dma_wait3A = arith.constant 0 : i32
        %dma_wait3A_62 = tpu.memref_slice %arg11[%add3A_57, %dma_wait3A] : memref<10240x128xf32, #tpu.memory_space<vmem_shared>> -> memref<128x128xf32, #tpu.memory_space<vmem_shared>>
        %dma_wait3A_63 = arith.constant 0 : i32
        %dma_wait3A_64 = tpu.memref_slice %arg11[%add3A_57, %dma_wait3A_63] : memref<10240x128xf32, #tpu.memory_space<vmem_shared>> -> memref<128x128xf32, #tpu.memory_space<vmem_shared>>
        tpu.wait_dma2 semaphore(%run_scoped3A : memref<!tpu.dma_semaphore, #tpu.memory_space<semaphore_mem>>) src(%arg9 : memref<128x128xf32, #tpu.memory_space<vmem>>) dst(%dma_wait3A_64 : memref<128x128xf32, #tpu.memory_space<vmem_shared>>)
        tpu.yield
      }) : () -> ()
    }
    %scan3A_9 = arith.constant 5 : i32
    %barrier3A = arith.constant 0 : index
    tpu.barrier barrier_id(%barrier3A)
    "tpu.region"() ({
      %run_scoped3A = tpu.sem_alloc : memref<!tpu.dma_semaphore, #tpu.memory_space<semaphore_mem>>
      %dma_start3A_48 = arith.constant 0 : i32
      %dma_start3A_49 = arith.constant 0 : i32
      %dma_start3A_50 = tpu.memref_slice %arg3[%add3A, %dma_start3A_48, %dma_start3A_49] : memref<32x80x128xi32, #tpu.memory_space<hbm>> -> memref<1x80x128xi32, #tpu.memory_space<hbm>>
      %dma_start3A_51 = tpu.memref_squeeze %dma_start3A_50 : memref<1x80x128xi32, #tpu.memory_space<hbm>> -> memref<80x128xi32, #tpu.memory_space<hbm>>
      %dma_start3A_52 = arith.constant 0 : i32
      %dma_start3A_53 = arith.constant 0 : i32
      %dma_start3A_54 = tpu.memref_slice %arg3[%add3A, %dma_start3A_52, %dma_start3A_53] : memref<32x80x128xi32, #tpu.memory_space<hbm>> -> memref<1x80x128xi32, #tpu.memory_space<hbm>>
      %dma_start3A_55 = tpu.memref_squeeze %dma_start3A_54 : memref<1x80x128xi32, #tpu.memory_space<hbm>> -> memref<80x128xi32, #tpu.memory_space<hbm>>
      tpu.enqueue_dma source(%dma_start3A_55 : memref<80x128xi32, #tpu.memory_space<hbm>>) target(%arg6 : memref<80x128xi32, #tpu.memory_space<vmem>>) target_semaphore(%run_scoped3A : memref<!tpu.dma_semaphore, #tpu.memory_space<semaphore_mem>>)
      %dma_wait3A = arith.constant 0 : i32
      %dma_wait3A_56 = arith.constant 0 : i32
      %dma_wait3A_57 = tpu.memref_slice %arg3[%add3A, %dma_wait3A, %dma_wait3A_56] : memref<32x80x128xi32, #tpu.memory_space<hbm>> -> memref<1x80x128xi32, #tpu.memory_space<hbm>>
      %dma_wait3A_58 = tpu.memref_squeeze %dma_wait3A_57 : memref<1x80x128xi32, #tpu.memory_space<hbm>> -> memref<80x128xi32, #tpu.memory_space<hbm>>
      %dma_wait3A_59 = arith.constant 0 : i32
      %dma_wait3A_60 = arith.constant 0 : i32
      %dma_wait3A_61 = tpu.memref_slice %arg3[%add3A, %dma_wait3A_59, %dma_wait3A_60] : memref<32x80x128xi32, #tpu.memory_space<hbm>> -> memref<1x80x128xi32, #tpu.memory_space<hbm>>
      %dma_wait3A_62 = tpu.memref_squeeze %dma_wait3A_61 : memref<1x80x128xi32, #tpu.memory_space<hbm>> -> memref<80x128xi32, #tpu.memory_space<hbm>>
      tpu.wait_dma2 semaphore(%run_scoped3A : memref<!tpu.dma_semaphore, #tpu.memory_space<semaphore_mem>>) src(%dma_wait3A_62 : memref<80x128xi32, #tpu.memory_space<hbm>>) dst(%arg6 : memref<80x128xi32, #tpu.memory_space<vmem>>)
      tpu.yield
    }) : () -> ()
    %dma_start3A = arith.constant 0 : i32
    %dma_start3A_10 = arith.constant 0 : i32
    %dma_start3A_11 = tpu.memref_slice %arg6[%dma_start3A, %dma_start3A_10] : memref<80x128xi32, #tpu.memory_space<vmem>> -> memref<1x128xi32, #tpu.memory_space<vmem>>
    %dma_start3A_12 = tpu.memref_squeeze %dma_start3A_11 : memref<1x128xi32, #tpu.memory_space<vmem>> -> memref<128xi32, #tpu.memory_space<vmem>>
    %dma_start3A_13 = arith.constant 0 : i32
    %dma_start3A_14 = arith.constant 0 : i32
    %dma_start3A_15 = tpu.memref_slice %arg2[%dma_start3A_13, %dma_start3A_14] : memref<10240x128xf32, #tpu.memory_space<hbm>> -> memref<10240x128xf32, #tpu.memory_space<hbm>>
    tpu.enqueue_indirect_dma source(%dma_start3A_15 : memref<10240x128xf32, #tpu.memory_space<hbm>>) target(%arg9 : memref<128x128xf32, #tpu.memory_space<vmem>>) offsets(%dma_start3A_12 : memref<128xi32, #tpu.memory_space<vmem>>) semaphore(%arg12 : memref<!tpu.dma_semaphore, #tpu.memory_space<semaphore_mem>>)
    %dma_start3A_16 = arith.constant 0 : i32
    %dma_start3A_17 = arith.constant 0 : i32
    %dma_start3A_18 = arith.constant 0 : i32
    %dma_start3A_19 = tpu.memref_slice %arg7[%dma_start3A_17, %dma_start3A_18] : memref<1x128xi32, #tpu.memory_space<vmem>> -> memref<1x128xi32, #tpu.memory_space<vmem>>
    %dma_start3A_20 = tpu.memref_squeeze %dma_start3A_19 : memref<1x128xi32, #tpu.memory_space<vmem>> -> memref<128xi32, #tpu.memory_space<vmem>>
    %dma_start3A_21 = arith.constant 0 : i32
    %dma_start3A_22 = arith.constant 0 : i32
    %dma_start3A_23 = tpu.memref_slice %arg4[%add3A, %dma_start3A_21, %dma_start3A_22] : memref<32x80x128xi32, #tpu.memory_space<hbm>> -> memref<1x80x128xi32, #tpu.memory_space<hbm>>
    %dma_start3A_24 = tpu.memref_squeeze %dma_start3A_23 : memref<1x80x128xi32, #tpu.memory_space<hbm>> -> memref<80x128xi32, #tpu.memory_space<hbm>>
    %dma_start3A_25 = arith.constant 0 : i32
    %dma_start3A_26 = tpu.memref_slice %dma_start3A_24[%dma_start3A_16, %dma_start3A_25] : memref<80x128xi32, #tpu.memory_space<hbm>> -> memref<1x128xi32, #tpu.memory_space<hbm>>
    %dma_start3A_27 = tpu.memref_squeeze %dma_start3A_26 : memref<1x128xi32, #tpu.memory_space<hbm>> -> memref<128xi32, #tpu.memory_space<hbm>>
    %dma_start3A_28 = arith.constant 0 : i32
    %dma_start3A_29 = tpu.memref_slice %arg7[%dma_start3A_17, %dma_start3A_28] : memref<1x128xi32, #tpu.memory_space<vmem>> -> memref<1x128xi32, #tpu.memory_space<vmem>>
    %dma_start3A_30 = tpu.memref_squeeze %dma_start3A_29 : memref<1x128xi32, #tpu.memory_space<vmem>> -> memref<128xi32, #tpu.memory_space<vmem>>
    %dma_start3A_31 = arith.constant 0 : i32
    %dma_start3A_32 = arith.constant 0 : i32
    %dma_start3A_33 = tpu.memref_slice %arg4[%add3A, %dma_start3A_31, %dma_start3A_32] : memref<32x80x128xi32, #tpu.memory_space<hbm>> -> memref<1x80x128xi32, #tpu.memory_space<hbm>>
    %dma_start3A_34 = tpu.memref_squeeze %dma_start3A_33 : memref<1x80x128xi32, #tpu.memory_space<hbm>> -> memref<80x128xi32, #tpu.memory_space<hbm>>
    %dma_start3A_35 = arith.constant 0 : i32
    %dma_start3A_36 = tpu.memref_slice %dma_start3A_34[%dma_start3A_16, %dma_start3A_35] : memref<80x128xi32, #tpu.memory_space<hbm>> -> memref<1x128xi32, #tpu.memory_space<hbm>>
    %dma_start3A_37 = tpu.memref_squeeze %dma_start3A_36 : memref<1x128xi32, #tpu.memory_space<hbm>> -> memref<128xi32, #tpu.memory_space<hbm>>
    tpu.enqueue_dma source(%dma_start3A_37 : memref<128xi32, #tpu.memory_space<hbm>>) target(%dma_start3A_30 : memref<128xi32, #tpu.memory_space<vmem>>) target_semaphore(%arg14 : memref<!tpu.dma_semaphore, #tpu.memory_space<semaphore_mem>>)
    %scan3A_38 = arith.constant 0 : i32
    %scan3A_39 = arith.constant 40 : i32
    %scan3A_40 = arith.addi %scan3A_38, %scan3A_39 : i32
    %scan3A_41 = arith.constant 1 : i32
    scf.for %scan3A_48 = %scan3A_38 to %scan3A_40 step %scan3A_41  : i32 {
      %mul3A_49 = arith.constant 1 : i32
      %mul3A_50 = arith.muli %scan3A_48, %mul3A_49 : i32
      %add3A_51 = arith.constant 0 : i32
      %add3A_52 = arith.addi %add3A_51, %mul3A_50 : i32
      %mul3A_53 = arith.constant 2 : i32
      %mul3A_54 = arith.muli %mul3A_53, %add3A_52 : i32
      %add3A_55 = arith.constant 1 : i32
      %add3A_56 = arith.addi %mul3A_54, %add3A_55 : i32
      %dma_start3A_57 = arith.constant 0 : i32
      %dma_start3A_58 = tpu.memref_slice %arg6[%add3A_56, %dma_start3A_57] : memref<80x128xi32, #tpu.memory_space<vmem>> -> memref<1x128xi32, #tpu.memory_space<vmem>>
      %dma_start3A_59 = tpu.memref_squeeze %dma_start3A_58 : memref<1x128xi32, #tpu.memory_space<vmem>> -> memref<128xi32, #tpu.memory_space<vmem>>
      %dma_start3A_60 = arith.constant 0 : i32
      %dma_start3A_61 = arith.constant 0 : i32
      %dma_start3A_62 = tpu.memref_slice %arg2[%dma_start3A_60, %dma_start3A_61] : memref<10240x128xf32, #tpu.memory_space<hbm>> -> memref<10240x128xf32, #tpu.memory_space<hbm>>
      tpu.enqueue_indirect_dma source(%dma_start3A_62 : memref<10240x128xf32, #tpu.memory_space<hbm>>) target(%arg10 : memref<128x128xf32, #tpu.memory_space<vmem>>) offsets(%dma_start3A_59 : memref<128xi32, #tpu.memory_space<vmem>>) semaphore(%arg13 : memref<!tpu.dma_semaphore, #tpu.memory_space<semaphore_mem>>)
      %add3A_63 = arith.constant 1 : i32
      %add3A_64 = arith.addi %mul3A_54, %add3A_63 : i32
      %dma_start3A_65 = arith.constant 0 : i32
      %dma_start3A_66 = arith.constant 0 : i32
      %dma_start3A_67 = tpu.memref_slice %arg8[%dma_start3A_65, %dma_start3A_66] : memref<1x128xi32, #tpu.memory_space<vmem>> -> memref<1x128xi32, #tpu.memory_space<vmem>>
      %dma_start3A_68 = tpu.memref_squeeze %dma_start3A_67 : memref<1x128xi32, #tpu.memory_space<vmem>> -> memref<128xi32, #tpu.memory_space<vmem>>
      %dma_start3A_69 = arith.constant 0 : i32
      %dma_start3A_70 = arith.constant 0 : i32
      %dma_start3A_71 = tpu.memref_slice %arg4[%add3A, %dma_start3A_69, %dma_start3A_70] : memref<32x80x128xi32, #tpu.memory_space<hbm>> -> memref<1x80x128xi32, #tpu.memory_space<hbm>>
      %dma_start3A_72 = tpu.memref_squeeze %dma_start3A_71 : memref<1x80x128xi32, #tpu.memory_space<hbm>> -> memref<80x128xi32, #tpu.memory_space<hbm>>
      %dma_start3A_73 = arith.constant 0 : i32
      %dma_start3A_74 = tpu.memref_slice %dma_start3A_72[%add3A_64, %dma_start3A_73] : memref<80x128xi32, #tpu.memory_space<hbm>> -> memref<1x128xi32, #tpu.memory_space<hbm>>
      %dma_start3A_75 = tpu.memref_squeeze %dma_start3A_74 : memref<1x128xi32, #tpu.memory_space<hbm>> -> memref<128xi32, #tpu.memory_space<hbm>>
      %dma_start3A_76 = arith.constant 0 : i32
      %dma_start3A_77 = tpu.memref_slice %arg8[%dma_start3A_65, %dma_start3A_76] : memref<1x128xi32, #tpu.memory_space<vmem>> -> memref<1x128xi32, #tpu.memory_space<vmem>>
      %dma_start3A_78 = tpu.memref_squeeze %dma_start3A_77 : memref<1x128xi32, #tpu.memory_space<vmem>> -> memref<128xi32, #tpu.memory_space<vmem>>
      %dma_start3A_79 = arith.constant 0 : i32
      %dma_start3A_80 = arith.constant 0 : i32
      %dma_start3A_81 = tpu.memref_slice %arg4[%add3A, %dma_start3A_79, %dma_start3A_80] : memref<32x80x128xi32, #tpu.memory_space<hbm>> -> memref<1x80x128xi32, #tpu.memory_space<hbm>>
      %dma_start3A_82 = tpu.memref_squeeze %dma_start3A_81 : memref<1x80x128xi32, #tpu.memory_space<hbm>> -> memref<80x128xi32, #tpu.memory_space<hbm>>
      %dma_start3A_83 = arith.constant 0 : i32
      %dma_start3A_84 = tpu.memref_slice %dma_start3A_82[%add3A_64, %dma_start3A_83] : memref<80x128xi32, #tpu.memory_space<hbm>> -> memref<1x128xi32, #tpu.memory_space<hbm>>
      %dma_start3A_85 = tpu.memref_squeeze %dma_start3A_84 : memref<1x128xi32, #tpu.memory_space<hbm>> -> memref<128xi32, #tpu.memory_space<hbm>>
      tpu.enqueue_dma source(%dma_start3A_85 : memref<128xi32, #tpu.memory_space<hbm>>) target(%dma_start3A_78 : memref<128xi32, #tpu.memory_space<vmem>>) target_semaphore(%arg15 : memref<!tpu.dma_semaphore, #tpu.memory_space<semaphore_mem>>)
      %dma_wait3A = arith.constant 0 : i32
      %dma_wait3A_86 = tpu.memref_slice %arg6[%mul3A_54, %dma_wait3A] : memref<80x128xi32, #tpu.memory_space<vmem>> -> memref<1x128xi32, #tpu.memory_space<vmem>>
      %dma_wait3A_87 = tpu.memref_squeeze %dma_wait3A_86 : memref<1x128xi32, #tpu.memory_space<vmem>> -> memref<128xi32, #tpu.memory_space<vmem>>
      %dma_wait3A_88 = arith.constant 0 : i32
      %dma_wait3A_89 = arith.constant 0 : i32
      %dma_wait3A_90 = tpu.memref_slice %arg2[%dma_wait3A_88, %dma_wait3A_89] : memref<10240x128xf32, #tpu.memory_space<hbm>> -> memref<10240x128xf32, #tpu.memory_space<hbm>>
      tpu.wait_indirect_dma semaphore(%arg12 : memref<!tpu.dma_semaphore, #tpu.memory_space<semaphore_mem>>) src(%dma_wait3A_90 : memref<10240x128xf32, #tpu.memory_space<hbm>>) dst(%arg9 : memref<128x128xf32, #tpu.memory_space<vmem>>)
      %dma_wait3A_91 = arith.constant 0 : i32
      %dma_wait3A_92 = arith.constant 0 : i32
      %dma_wait3A_93 = tpu.memref_slice %arg7[%dma_wait3A_91, %dma_wait3A_92] : memref<1x128xi32, #tpu.memory_space<vmem>> -> memref<1x128xi32, #tpu.memory_space<vmem>>
      %dma_wait3A_94 = tpu.memref_squeeze %dma_wait3A_93 : memref<1x128xi32, #tpu.memory_space<vmem>> -> memref<128xi32, #tpu.memory_space<vmem>>
      %dma_wait3A_95 = arith.constant 0 : i32
      %dma_wait3A_96 = arith.constant 0 : i32
      %dma_wait3A_97 = tpu.memref_slice %arg4[%add3A, %dma_wait3A_95, %dma_wait3A_96] : memref<32x80x128xi32, #tpu.memory_space<hbm>> -> memref<1x80x128xi32, #tpu.memory_space<hbm>>
      %dma_wait3A_98 = tpu.memref_squeeze %dma_wait3A_97 : memref<1x80x128xi32, #tpu.memory_space<hbm>> -> memref<80x128xi32, #tpu.memory_space<hbm>>
      %dma_wait3A_99 = arith.constant 0 : i32
      %dma_wait3A_100 = tpu.memref_slice %dma_wait3A_98[%mul3A_54, %dma_wait3A_99] : memref<80x128xi32, #tpu.memory_space<hbm>> -> memref<1x128xi32, #tpu.memory_space<hbm>>
      %dma_wait3A_101 = tpu.memref_squeeze %dma_wait3A_100 : memref<1x128xi32, #tpu.memory_space<hbm>> -> memref<128xi32, #tpu.memory_space<hbm>>
      %dma_wait3A_102 = arith.constant 0 : i32
      %dma_wait3A_103 = tpu.memref_slice %arg7[%dma_wait3A_91, %dma_wait3A_102] : memref<1x128xi32, #tpu.memory_space<vmem>> -> memref<1x128xi32, #tpu.memory_space<vmem>>
      %dma_wait3A_104 = tpu.memref_squeeze %dma_wait3A_103 : memref<1x128xi32, #tpu.memory_space<vmem>> -> memref<128xi32, #tpu.memory_space<vmem>>
      %dma_wait3A_105 = arith.constant 0 : i32
      %dma_wait3A_106 = arith.constant 0 : i32
      %dma_wait3A_107 = tpu.memref_slice %arg4[%add3A, %dma_wait3A_105, %dma_wait3A_106] : memref<32x80x128xi32, #tpu.memory_space<hbm>> -> memref<1x80x128xi32, #tpu.memory_space<hbm>>
      %dma_wait3A_108 = tpu.memref_squeeze %dma_wait3A_107 : memref<1x80x128xi32, #tpu.memory_space<hbm>> -> memref<80x128xi32, #tpu.memory_space<hbm>>
      %dma_wait3A_109 = arith.constant 0 : i32
      %dma_wait3A_110 = tpu.memref_slice %dma_wait3A_108[%mul3A_54, %dma_wait3A_109] : memref<80x128xi32, #tpu.memory_space<hbm>> -> memref<1x128xi32, #tpu.memory_space<hbm>>
      %dma_wait3A_111 = tpu.memref_squeeze %dma_wait3A_110 : memref<1x128xi32, #tpu.memory_space<hbm>> -> memref<128xi32, #tpu.memory_space<hbm>>
      tpu.wait_dma2 semaphore(%arg14 : memref<!tpu.dma_semaphore, #tpu.memory_space<semaphore_mem>>) src(%dma_wait3A_111 : memref<128xi32, #tpu.memory_space<hbm>>) dst(%dma_wait3A_104 : memref<128xi32, #tpu.memory_space<vmem>>)
      %run_scoped3A = arith.constant 0 : i32
      "tpu.region"() ({
        %run_scoped3A_148 = tpu.sem_alloc : memref<!tpu.dma_semaphore, #tpu.memory_space<semaphore_mem>>
        %dma_start3A_149 = arith.constant 0 : i32
        %dma_start3A_150 = tpu.memref_slice %arg7[%run_scoped3A, %dma_start3A_149] : memref<1x128xi32, #tpu.memory_space<vmem>> -> memref<1x128xi32, #tpu.memory_space<vmem>>
        %dma_start3A_151 = tpu.memref_squeeze %dma_start3A_150 : memref<1x128xi32, #tpu.memory_space<vmem>> -> memref<128xi32, #tpu.memory_space<vmem>>
        %dma_start3A_152 = arith.constant 0 : i32
        %dma_start3A_153 = arith.constant 0 : i32
        %dma_start3A_154 = tpu.memref_slice %arg11[%dma_start3A_152, %dma_start3A_153] : memref<10240x128xf32, #tpu.memory_space<vmem_shared>> -> memref<10240x128xf32, #tpu.memory_space<vmem_shared>>
        tpu.enqueue_indirect_dma source(%arg9 : memref<128x128xf32, #tpu.memory_space<vmem>>) target(%dma_start3A_154 : memref<10240x128xf32, #tpu.memory_space<vmem_shared>>) offsets(%dma_start3A_151 : memref<128xi32, #tpu.memory_space<vmem>>) semaphore(%run_scoped3A_148 : memref<!tpu.dma_semaphore, #tpu.memory_space<semaphore_mem>>) {add = true}
        %dma_wait3A_155 = arith.constant 0 : i32
        %dma_wait3A_156 = tpu.memref_slice %arg7[%run_scoped3A, %dma_wait3A_155] : memref<1x128xi32, #tpu.memory_space<vmem>> -> memref<1x128xi32, #tpu.memory_space<vmem>>
        %dma_wait3A_157 = tpu.memref_squeeze %dma_wait3A_156 : memref<1x128xi32, #tpu.memory_space<vmem>> -> memref<128xi32, #tpu.memory_space<vmem>>
        %dma_wait3A_158 = arith.constant 0 : i32
        %dma_wait3A_159 = arith.constant 0 : i32
        %dma_wait3A_160 = tpu.memref_slice %arg11[%dma_wait3A_158, %dma_wait3A_159] : memref<10240x128xf32, #tpu.memory_space<vmem_shared>> -> memref<10240x128xf32, #tpu.memory_space<vmem_shared>>
        tpu.wait_indirect_dma semaphore(%run_scoped3A_148 : memref<!tpu.dma_semaphore, #tpu.memory_space<semaphore_mem>>) src(%arg9 : memref<128x128xf32, #tpu.memory_space<vmem>>) dst(%dma_wait3A_160 : memref<10240x128xf32, #tpu.memory_space<vmem_shared>>)
        tpu.yield
      }) : () -> ()
      %add3A_112 = arith.constant 1 : i32
      %add3A_113 = arith.addi %add3A_52, %add3A_112 : i32
      %lt3A = arith.constant 40 : i32
      %lt3A_114 = arith.cmpi slt, %add3A_113, %lt3A : i32
      %convert_element_type3A = arith.extui %lt3A_114 : i1 to i32
      %cond3A = arith.constant 0 : i32
      %cond3A_115 = arith.cmpi ne, %convert_element_type3A, %cond3A : i32
      scf.if %cond3A_115 {
        %add3A_148 = arith.constant 2 : i32
        %add3A_149 = arith.addi %mul3A_54, %add3A_148 : i32
        %dma_start3A_150 = arith.constant 0 : i32
        %dma_start3A_151 = tpu.memref_slice %arg6[%add3A_149, %dma_start3A_150] : memref<80x128xi32, #tpu.memory_space<vmem>> -> memref<1x128xi32, #tpu.memory_space<vmem>>
        %dma_start3A_152 = tpu.memref_squeeze %dma_start3A_151 : memref<1x128xi32, #tpu.memory_space<vmem>> -> memref<128xi32, #tpu.memory_space<vmem>>
        %dma_start3A_153 = arith.constant 0 : i32
        %dma_start3A_154 = arith.constant 0 : i32
        %dma_start3A_155 = tpu.memref_slice %arg2[%dma_start3A_153, %dma_start3A_154] : memref<10240x128xf32, #tpu.memory_space<hbm>> -> memref<10240x128xf32, #tpu.memory_space<hbm>>
        tpu.enqueue_indirect_dma source(%dma_start3A_155 : memref<10240x128xf32, #tpu.memory_space<hbm>>) target(%arg9 : memref<128x128xf32, #tpu.memory_space<vmem>>) offsets(%dma_start3A_152 : memref<128xi32, #tpu.memory_space<vmem>>) semaphore(%arg12 : memref<!tpu.dma_semaphore, #tpu.memory_space<semaphore_mem>>)
        %add3A_156 = arith.constant 2 : i32
        %add3A_157 = arith.addi %mul3A_54, %add3A_156 : i32
        %dma_start3A_158 = arith.constant 0 : i32
        %dma_start3A_159 = arith.constant 0 : i32
        %dma_start3A_160 = tpu.memref_slice %arg7[%dma_start3A_158, %dma_start3A_159] : memref<1x128xi32, #tpu.memory_space<vmem>> -> memref<1x128xi32, #tpu.memory_space<vmem>>
        %dma_start3A_161 = tpu.memref_squeeze %dma_start3A_160 : memref<1x128xi32, #tpu.memory_space<vmem>> -> memref<128xi32, #tpu.memory_space<vmem>>
        %dma_start3A_162 = arith.constant 0 : i32
        %dma_start3A_163 = arith.constant 0 : i32
        %dma_start3A_164 = tpu.memref_slice %arg4[%add3A, %dma_start3A_162, %dma_start3A_163] : memref<32x80x128xi32, #tpu.memory_space<hbm>> -> memref<1x80x128xi32, #tpu.memory_space<hbm>>
        %dma_start3A_165 = tpu.memref_squeeze %dma_start3A_164 : memref<1x80x128xi32, #tpu.memory_space<hbm>> -> memref<80x128xi32, #tpu.memory_space<hbm>>
        %dma_start3A_166 = arith.constant 0 : i32
        %dma_start3A_167 = tpu.memref_slice %dma_start3A_165[%add3A_157, %dma_start3A_166] : memref<80x128xi32, #tpu.memory_space<hbm>> -> memref<1x128xi32, #tpu.memory_space<hbm>>
        %dma_start3A_168 = tpu.memref_squeeze %dma_start3A_167 : memref<1x128xi32, #tpu.memory_space<hbm>> -> memref<128xi32, #tpu.memory_space<hbm>>
        %dma_start3A_169 = arith.constant 0 : i32
        %dma_start3A_170 = tpu.memref_slice %arg7[%dma_start3A_158, %dma_start3A_169] : memref<1x128xi32, #tpu.memory_space<vmem>> -> memref<1x128xi32, #tpu.memory_space<vmem>>
        %dma_start3A_171 = tpu.memref_squeeze %dma_start3A_170 : memref<1x128xi32, #tpu.memory_space<vmem>> -> memref<128xi32, #tpu.memory_space<vmem>>
        %dma_start3A_172 = arith.constant 0 : i32
        %dma_start3A_173 = arith.constant 0 : i32
        %dma_start3A_174 = tpu.memref_slice %arg4[%add3A, %dma_start3A_172, %dma_start3A_173] : memref<32x80x128xi32, #tpu.memory_space<hbm>> -> memref<1x80x128xi32, #tpu.memory_space<hbm>>
        %dma_start3A_175 = tpu.memref_squeeze %dma_start3A_174 : memref<1x80x128xi32, #tpu.memory_space<hbm>> -> memref<80x128xi32, #tpu.memory_space<hbm>>
        %dma_start3A_176 = arith.constant 0 : i32
        %dma_start3A_177 = tpu.memref_slice %dma_start3A_175[%add3A_157, %dma_start3A_176] : memref<80x128xi32, #tpu.memory_space<hbm>> -> memref<1x128xi32, #tpu.memory_space<hbm>>
        %dma_start3A_178 = tpu.memref_squeeze %dma_start3A_177 : memref<1x128xi32, #tpu.memory_space<hbm>> -> memref<128xi32, #tpu.memory_space<hbm>>
        tpu.enqueue_dma source(%dma_start3A_178 : memref<128xi32, #tpu.memory_space<hbm>>) target(%dma_start3A_171 : memref<128xi32, #tpu.memory_space<vmem>>) target_semaphore(%arg14 : memref<!tpu.dma_semaphore, #tpu.memory_space<semaphore_mem>>)
      } else {
      }
      %add3A_116 = arith.constant 1 : i32
      %add3A_117 = arith.addi %mul3A_54, %add3A_116 : i32
      %dma_wait3A_118 = arith.constant 0 : i32
      %dma_wait3A_119 = tpu.memref_slice %arg6[%add3A_117, %dma_wait3A_118] : memref<80x128xi32, #tpu.memory_space<vmem>> -> memref<1x128xi32, #tpu.memory_space<vmem>>
      %dma_wait3A_120 = tpu.memref_squeeze %dma_wait3A_119 : memref<1x128xi32, #tpu.memory_space<vmem>> -> memref<128xi32, #tpu.memory_space<vmem>>
      %dma_wait3A_121 = arith.constant 0 : i32
      %dma_wait3A_122 = arith.constant 0 : i32
      %dma_wait3A_123 = tpu.memref_slice %arg2[%dma_wait3A_121, %dma_wait3A_122] : memref<10240x128xf32, #tpu.memory_space<hbm>> -> memref<10240x128xf32, #tpu.memory_space<hbm>>
      tpu.wait_indirect_dma semaphore(%arg13 : memref<!tpu.dma_semaphore, #tpu.memory_space<semaphore_mem>>) src(%dma_wait3A_123 : memref<10240x128xf32, #tpu.memory_space<hbm>>) dst(%arg10 : memref<128x128xf32, #tpu.memory_space<vmem>>)
      %add3A_124 = arith.constant 1 : i32
      %add3A_125 = arith.addi %mul3A_54, %add3A_124 : i32
      %dma_wait3A_126 = arith.constant 0 : i32
      %dma_wait3A_127 = arith.constant 0 : i32
      %dma_wait3A_128 = tpu.memref_slice %arg8[%dma_wait3A_126, %dma_wait3A_127] : memref<1x128xi32, #tpu.memory_space<vmem>> -> memref<1x128xi32, #tpu.memory_space<vmem>>
      %dma_wait3A_129 = tpu.memref_squeeze %dma_wait3A_128 : memref<1x128xi32, #tpu.memory_space<vmem>> -> memref<128xi32, #tpu.memory_space<vmem>>
      %dma_wait3A_130 = arith.constant 0 : i32
      %dma_wait3A_131 = arith.constant 0 : i32
      %dma_wait3A_132 = tpu.memref_slice %arg4[%add3A, %dma_wait3A_130, %dma_wait3A_131] : memref<32x80x128xi32, #tpu.memory_space<hbm>> -> memref<1x80x128xi32, #tpu.memory_space<hbm>>
      %dma_wait3A_133 = tpu.memref_squeeze %dma_wait3A_132 : memref<1x80x128xi32, #tpu.memory_space<hbm>> -> memref<80x128xi32, #tpu.memory_space<hbm>>
      %dma_wait3A_134 = arith.constant 0 : i32
      %dma_wait3A_135 = tpu.memref_slice %dma_wait3A_133[%add3A_125, %dma_wait3A_134] : memref<80x128xi32, #tpu.memory_space<hbm>> -> memref<1x128xi32, #tpu.memory_space<hbm>>
      %dma_wait3A_136 = tpu.memref_squeeze %dma_wait3A_135 : memref<1x128xi32, #tpu.memory_space<hbm>> -> memref<128xi32, #tpu.memory_space<hbm>>
      %dma_wait3A_137 = arith.constant 0 : i32
      %dma_wait3A_138 = tpu.memref_slice %arg8[%dma_wait3A_126, %dma_wait3A_137] : memref<1x128xi32, #tpu.memory_space<vmem>> -> memref<1x128xi32, #tpu.memory_space<vmem>>
      %dma_wait3A_139 = tpu.memref_squeeze %dma_wait3A_138 : memref<1x128xi32, #tpu.memory_space<vmem>> -> memref<128xi32, #tpu.memory_space<vmem>>
      %dma_wait3A_140 = arith.constant 0 : i32
      %dma_wait3A_141 = arith.constant 0 : i32
      %dma_wait3A_142 = tpu.memref_slice %arg4[%add3A, %dma_wait3A_140, %dma_wait3A_141] : memref<32x80x128xi32, #tpu.memory_space<hbm>> -> memref<1x80x128xi32, #tpu.memory_space<hbm>>
      %dma_wait3A_143 = tpu.memref_squeeze %dma_wait3A_142 : memref<1x80x128xi32, #tpu.memory_space<hbm>> -> memref<80x128xi32, #tpu.memory_space<hbm>>
      %dma_wait3A_144 = arith.constant 0 : i32
      %dma_wait3A_145 = tpu.memref_slice %dma_wait3A_143[%add3A_125, %dma_wait3A_144] : memref<80x128xi32, #tpu.memory_space<hbm>> -> memref<1x128xi32, #tpu.memory_space<hbm>>
      %dma_wait3A_146 = tpu.memref_squeeze %dma_wait3A_145 : memref<1x128xi32, #tpu.memory_space<hbm>> -> memref<128xi32, #tpu.memory_space<hbm>>
      tpu.wait_dma2 semaphore(%arg15 : memref<!tpu.dma_semaphore, #tpu.memory_space<semaphore_mem>>) src(%dma_wait3A_146 : memref<128xi32, #tpu.memory_space<hbm>>) dst(%dma_wait3A_139 : memref<128xi32, #tpu.memory_space<vmem>>)
      %run_scoped3A_147 = arith.constant 0 : i32
      "tpu.region"() ({
        %run_scoped3A_148 = tpu.sem_alloc : memref<!tpu.dma_semaphore, #tpu.memory_space<semaphore_mem>>
        %dma_start3A_149 = arith.constant 0 : i32
        %dma_start3A_150 = tpu.memref_slice %arg8[%run_scoped3A_147, %dma_start3A_149] : memref<1x128xi32, #tpu.memory_space<vmem>> -> memref<1x128xi32, #tpu.memory_space<vmem>>
        %dma_start3A_151 = tpu.memref_squeeze %dma_start3A_150 : memref<1x128xi32, #tpu.memory_space<vmem>> -> memref<128xi32, #tpu.memory_space<vmem>>
        %dma_start3A_152 = arith.constant 0 : i32
        %dma_start3A_153 = arith.constant 0 : i32
        %dma_start3A_154 = tpu.memref_slice %arg11[%dma_start3A_152, %dma_start3A_153] : memref<10240x128xf32, #tpu.memory_space<vmem_shared>> -> memref<10240x128xf32, #tpu.memory_space<vmem_shared>>
        tpu.enqueue_indirect_dma source(%arg10 : memref<128x128xf32, #tpu.memory_space<vmem>>) target(%dma_start3A_154 : memref<10240x128xf32, #tpu.memory_space<vmem_shared>>) offsets(%dma_start3A_151 : memref<128xi32, #tpu.memory_space<vmem>>) semaphore(%run_scoped3A_148 : memref<!tpu.dma_semaphore, #tpu.memory_space<semaphore_mem>>) {add = true}
        %dma_wait3A_155 = arith.constant 0 : i32
        %dma_wait3A_156 = tpu.memref_slice %arg8[%run_scoped3A_147, %dma_wait3A_155] : memref<1x128xi32, #tpu.memory_space<vmem>> -> memref<1x128xi32, #tpu.memory_space<vmem>>
        %dma_wait3A_157 = tpu.memref_squeeze %dma_wait3A_156 : memref<1x128xi32, #tpu.memory_space<vmem>> -> memref<128xi32, #tpu.memory_space<vmem>>
        %dma_wait3A_158 = arith.constant 0 : i32
        %dma_wait3A_159 = arith.constant 0 : i32
        %dma_wait3A_160 = tpu.memref_slice %arg11[%dma_wait3A_158, %dma_wait3A_159] : memref<10240x128xf32, #tpu.memory_space<vmem_shared>> -> memref<10240x128xf32, #tpu.memory_space<vmem_shared>>
        tpu.wait_indirect_dma semaphore(%run_scoped3A_148 : memref<!tpu.dma_semaphore, #tpu.memory_space<semaphore_mem>>) src(%arg10 : memref<128x128xf32, #tpu.memory_space<vmem>>) dst(%dma_wait3A_160 : memref<10240x128xf32, #tpu.memory_space<vmem_shared>>)
        tpu.yield
      }) : () -> ()
    }
    %scan3A_42 = arith.constant 40 : i32
    %barrier3A_43 = arith.constant 0 : index
    tpu.barrier barrier_id(%barrier3A_43)
    %mul3A_44 = arith.constant 640 : i32
    %mul3A_45 = arith.muli %arg1, %mul3A_44 : i32
    %mul3A_46 = arith.constant 640 : i32
    %mul3A_47 = arith.muli %arg1, %mul3A_46 : i32
    "tpu.region"() ({
      %run_scoped3A = tpu.sem_alloc : memref<!tpu.dma_semaphore, #tpu.memory_space<semaphore_mem>>
      %dma_start3A_48 = arith.constant 0 : i32
      %dma_start3A_49 = arith.constant 0 : i32
      %dma_start3A_50 = tpu.memref_slice %arg5[%arg0, %dma_start3A_48, %dma_start3A_49] : memref<2x10240x128xf32, #tpu.memory_space<hbm>> -> memref<1x10240x128xf32, #tpu.memory_space<hbm>>
      %dma_start3A_51 = tpu.memref_squeeze %dma_start3A_50 : memref<1x10240x128xf32, #tpu.memory_space<hbm>> -> memref<10240x128xf32, #tpu.memory_space<hbm>>
      %dma_start3A_52 = arith.constant 0 : i32
      %dma_start3A_53 = tpu.memref_slice %dma_start3A_51[%mul3A_47, %dma_start3A_52] : memref<10240x128xf32, #tpu.memory_space<hbm>> -> memref<640x128xf32, #tpu.memory_space<hbm>>
      %dma_start3A_54 = arith.constant 0 : i32
      %dma_start3A_55 = tpu.memref_slice %arg11[%mul3A_45, %dma_start3A_54] : memref<10240x128xf32, #tpu.memory_space<vmem_shared>> -> memref<640x128xf32, #tpu.memory_space<vmem_shared>>
      tpu.enqueue_dma source(%dma_start3A_55 : memref<640x128xf32, #tpu.memory_space<vmem_shared>>) target(%dma_start3A_53 : memref<640x128xf32, #tpu.memory_space<hbm>>) target_semaphore(%run_scoped3A : memref<!tpu.dma_semaphore, #tpu.memory_space<semaphore_mem>>)
      %dma_wait3A = arith.constant 0 : i32
      %dma_wait3A_56 = arith.constant 0 : i32
      %dma_wait3A_57 = tpu.memref_slice %arg5[%arg0, %dma_wait3A, %dma_wait3A_56] : memref<2x10240x128xf32, #tpu.memory_space<hbm>> -> memref<1x10240x128xf32, #tpu.memory_space<hbm>>
      %dma_wait3A_58 = tpu.memref_squeeze %dma_wait3A_57 : memref<1x10240x128xf32, #tpu.memory_space<hbm>> -> memref<10240x128xf32, #tpu.memory_space<hbm>>
      %dma_wait3A_59 = arith.constant 0 : i32
      %dma_wait3A_60 = tpu.memref_slice %dma_wait3A_58[%mul3A_47, %dma_wait3A_59] : memref<10240x128xf32, #tpu.memory_space<hbm>> -> memref<640x128xf32, #tpu.memory_space<hbm>>
      %dma_wait3A_61 = arith.constant 0 : i32
      %dma_wait3A_62 = tpu.memref_slice %arg11[%mul3A_45, %dma_wait3A_61] : memref<10240x128xf32, #tpu.memory_space<vmem_shared>> -> memref<640x128xf32, #tpu.memory_space<vmem_shared>>
      tpu.wait_dma2 semaphore(%run_scoped3A : memref<!tpu.dma_semaphore, #tpu.memory_space<semaphore_mem>>) src(%dma_wait3A_62 : memref<640x128xf32, #tpu.memory_space<vmem_shared>>) dst(%dma_wait3A_60 : memref<640x128xf32, #tpu.memory_space<hbm>>)
      tpu.yield
    }) : () -> ()
    return
  }
}

#map = affine_map<(d0, d1) -> (0, 0, 0)>
#map1 = affine_map<(d0, d1) -> (0, 0)>
module attributes {stable_mosaic.version = 14 : i64} {
  func.func @_deg_body(%arg0: i32, %arg1: i32, %arg2: memref<32x80x128xi32, #tpu.memory_space<hbm>>, %arg3: memref<32x10240xf32, #tpu.memory_space<hbm>>, %arg4: memref<80x128xi32, #tpu.memory_space<vmem>>, %arg5: memref<10240xf32, #tpu.memory_space<vmem>>) attributes {dimension_semantics = [#tpu.dimension_semantics<core_parallel>, #tpu.dimension_semantics<subcore_parallel>], iteration_bounds = array<i64: 2, 16>, scalar_prefetch = 0 : i64, scratch_operands = 2 : i64, tpu.core_type = #tpu.core_type<sc_vector_subcore>, window_params = [{transform_indices = #map}, {transform_indices = #map1}]} {
    %mul3A = arith.constant 16 : i32
    %mul3A_0 = arith.muli %arg0, %mul3A : i32
    %add3A = arith.addi %mul3A_0, %arg1 : i32
    %scan3A = arith.constant 0 : i32
    %scan3A_1 = arith.constant 640 : i32
    %scan3A_2 = arith.addi %scan3A, %scan3A_1 : i32
    %scan3A_3 = arith.constant 1 : i32
    scf.for %scan3A_11 = %scan3A to %scan3A_2 step %scan3A_3  : i32 {
      %mul3A_12 = arith.constant 1 : i32
      %mul3A_13 = arith.muli %scan3A_11, %mul3A_12 : i32
      %add3A_14 = arith.constant 0 : i32
      %add3A_15 = arith.addi %add3A_14, %mul3A_13 : i32
      %broadcast_in_dim3A_16 = arith.constant 0.000000e+00 : f32
      %broadcast_in_dim3A_17 = vector.broadcast %broadcast_in_dim3A_16 : f32 to vector<16xf32>
      %mul3A_18 = arith.constant 16 : i32
      %mul3A_19 = arith.muli %add3A_15, %mul3A_18 : i32
      %swap3A = arith.index_cast %mul3A_19 : i32 to index
      %swap3A_20 = tpu.vector_load %arg5[%swap3A] {strides = array<i32>} : memref<10240xf32, #tpu.memory_space<vmem>>, vector<16xf32>,
      tpu.vector_store %arg5[%swap3A], %broadcast_in_dim3A_17 {strides = array<i32>} : memref<10240xf32, #tpu.memory_space<vmem>>, vector<16xf32>,
    }
    %scan3A_4 = arith.constant 640 : i32
    %broadcast_in_dim3A = arith.constant 1.000000e+00 : f32
    %broadcast_in_dim3A_5 = vector.broadcast %broadcast_in_dim3A : f32 to vector<16xf32>
    "tpu.region"() ({
      %run_scoped3A = tpu.sem_alloc : memref<!tpu.dma_semaphore, #tpu.memory_space<semaphore_mem>>
      %dma_start3A = arith.constant 0 : i32
      %dma_start3A_11 = arith.constant 0 : i32
      %dma_start3A_12 = tpu.memref_slice %arg2[%add3A, %dma_start3A, %dma_start3A_11] : memref<32x80x128xi32, #tpu.memory_space<hbm>> -> memref<1x80x128xi32, #tpu.memory_space<hbm>>
      %dma_start3A_13 = tpu.memref_squeeze %dma_start3A_12 : memref<1x80x128xi32, #tpu.memory_space<hbm>> -> memref<80x128xi32, #tpu.memory_space<hbm>>
      %dma_start3A_14 = arith.constant 0 : i32
      %dma_start3A_15 = arith.constant 0 : i32
      %dma_start3A_16 = tpu.memref_slice %arg2[%add3A, %dma_start3A_14, %dma_start3A_15] : memref<32x80x128xi32, #tpu.memory_space<hbm>> -> memref<1x80x128xi32, #tpu.memory_space<hbm>>
      %dma_start3A_17 = tpu.memref_squeeze %dma_start3A_16 : memref<1x80x128xi32, #tpu.memory_space<hbm>> -> memref<80x128xi32, #tpu.memory_space<hbm>>
      tpu.enqueue_dma source(%dma_start3A_17 : memref<80x128xi32, #tpu.memory_space<hbm>>) target(%arg4 : memref<80x128xi32, #tpu.memory_space<vmem>>) target_semaphore(%run_scoped3A : memref<!tpu.dma_semaphore, #tpu.memory_space<semaphore_mem>>)
      %dma_wait3A = arith.constant 0 : i32
      %dma_wait3A_18 = arith.constant 0 : i32
      %dma_wait3A_19 = tpu.memref_slice %arg2[%add3A, %dma_wait3A, %dma_wait3A_18] : memref<32x80x128xi32, #tpu.memory_space<hbm>> -> memref<1x80x128xi32, #tpu.memory_space<hbm>>
      %dma_wait3A_20 = tpu.memref_squeeze %dma_wait3A_19 : memref<1x80x128xi32, #tpu.memory_space<hbm>> -> memref<80x128xi32, #tpu.memory_space<hbm>>
      %dma_wait3A_21 = arith.constant 0 : i32
      %dma_wait3A_22 = arith.constant 0 : i32
      %dma_wait3A_23 = tpu.memref_slice %arg2[%add3A, %dma_wait3A_21, %dma_wait3A_22] : memref<32x80x128xi32, #tpu.memory_space<hbm>> -> memref<1x80x128xi32, #tpu.memory_space<hbm>>
      %dma_wait3A_24 = tpu.memref_squeeze %dma_wait3A_23 : memref<1x80x128xi32, #tpu.memory_space<hbm>> -> memref<80x128xi32, #tpu.memory_space<hbm>>
      tpu.wait_dma2 semaphore(%run_scoped3A : memref<!tpu.dma_semaphore, #tpu.memory_space<semaphore_mem>>) src(%dma_wait3A_24 : memref<80x128xi32, #tpu.memory_space<hbm>>) dst(%arg4 : memref<80x128xi32, #tpu.memory_space<vmem>>)
      tpu.yield
    }) : () -> ()
    %scan3A_6 = arith.constant 0 : i32
    %scan3A_7 = arith.constant 80 : i32
    %scan3A_8 = arith.addi %scan3A_6, %scan3A_7 : i32
    %scan3A_9 = arith.constant 1 : i32
    scf.for %scan3A_11 = %scan3A_6 to %scan3A_8 step %scan3A_9  : i32 {
      %mul3A_12 = arith.constant 1 : i32
      %mul3A_13 = arith.muli %scan3A_11, %mul3A_12 : i32
      %add3A_14 = arith.constant 0 : i32
      %add3A_15 = arith.addi %add3A_14, %mul3A_13 : i32
      %scan3A_16 = arith.constant 0 : i32
      %scan3A_17 = arith.constant 8 : i32
      %scan3A_18 = arith.addi %scan3A_16, %scan3A_17 : i32
      %scan3A_19 = arith.constant 1 : i32
      scf.for %scan3A_21 = %scan3A_16 to %scan3A_18 step %scan3A_19  : i32 {
        %mul3A_22 = arith.constant 1 : i32
        %mul3A_23 = arith.muli %scan3A_21, %mul3A_22 : i32
        %add3A_24 = arith.constant 0 : i32
        %add3A_25 = arith.addi %add3A_24, %mul3A_23 : i32
        %mul3A_26 = arith.constant 16 : i32
        %mul3A_27 = arith.muli %add3A_25, %mul3A_26 : i32
        %get3A = arith.index_cast %add3A_15 : i32 to index
        %get3A_28 = arith.index_cast %mul3A_27 : i32 to index
        %get3A_29 = tpu.vector_load %arg4[%get3A, %get3A_28] {strides = array<i32>} : memref<80x128xi32, #tpu.memory_space<vmem>>, vector<16xi32>,
        tpu.vector_store_idx %arg5[%get3A_29], %broadcast_in_dim3A_5 {add = true} : memref<10240xf32, #tpu.memory_space<vmem>>[vector<16xi32>], vector<16xf32>,
      }
      %scan3A_20 = arith.constant 8 : i32
    }
    %scan3A_10 = arith.constant 80 : i32
    "tpu.region"() ({
      %run_scoped3A = tpu.sem_alloc : memref<!tpu.dma_semaphore, #tpu.memory_space<semaphore_mem>>
      %dma_start3A = arith.constant 0 : i32
      %dma_start3A_11 = tpu.memref_slice %arg3[%add3A, %dma_start3A] : memref<32x10240xf32, #tpu.memory_space<hbm>> -> memref<1x10240xf32, #tpu.memory_space<hbm>>
      %dma_start3A_12 = tpu.memref_squeeze %dma_start3A_11 : memref<1x10240xf32, #tpu.memory_space<hbm>> -> memref<10240xf32, #tpu.memory_space<hbm>>
      %dma_start3A_13 = arith.constant 0 : i32
      %dma_start3A_14 = tpu.memref_slice %arg3[%add3A, %dma_start3A_13] : memref<32x10240xf32, #tpu.memory_space<hbm>> -> memref<1x10240xf32, #tpu.memory_space<hbm>>
      %dma_start3A_15 = tpu.memref_squeeze %dma_start3A_14 : memref<1x10240xf32, #tpu.memory_space<hbm>> -> memref<10240xf32, #tpu.memory_space<hbm>>
      tpu.enqueue_dma source(%arg5 : memref<10240xf32, #tpu.memory_space<vmem>>) target(%dma_start3A_15 : memref<10240xf32, #tpu.memory_space<hbm>>) target_semaphore(%run_scoped3A : memref<!tpu.dma_semaphore, #tpu.memory_space<semaphore_mem>>)
      %dma_wait3A = arith.constant 0 : i32
      %dma_wait3A_16 = tpu.memref_slice %arg3[%add3A, %dma_wait3A] : memref<32x10240xf32, #tpu.memory_space<hbm>> -> memref<1x10240xf32, #tpu.memory_space<hbm>>
      %dma_wait3A_17 = tpu.memref_squeeze %dma_wait3A_16 : memref<1x10240xf32, #tpu.memory_space<hbm>> -> memref<10240xf32, #tpu.memory_space<hbm>>
      %dma_wait3A_18 = arith.constant 0 : i32
      %dma_wait3A_19 = tpu.memref_slice %arg3[%add3A, %dma_wait3A_18] : memref<32x10240xf32, #tpu.memory_space<hbm>> -> memref<1x10240xf32, #tpu.memory_space<hbm>>
      %dma_wait3A_20 = tpu.memref_squeeze %dma_wait3A_19 : memref<1x10240xf32, #tpu.memory_space<hbm>> -> memref<10240xf32, #tpu.memory_space<hbm>>
      tpu.wait_dma2 semaphore(%run_scoped3A : memref<!tpu.dma_semaphore, #tpu.memory_space<semaphore_mem>>) src(%arg5 : memref<10240xf32, #tpu.memory_space<vmem>>) dst(%dma_wait3A_20 : memref<10240xf32, #tpu.memory_space<hbm>>)
      tpu.yield
    }) : () -> ()
    return
  }
}

#map = affine_map<(d0, d1) -> (0, 0)>
#map1 = affine_map<(d0, d1) -> (0, 0, 0)>
module attributes {stable_mosaic.version = 14 : i64} {
  func.func @body(%arg0: i32, %arg1: i32, %arg2: memref<10240x64xf32, #tpu.memory_space<hbm>>, %arg3: memref<32x80x128xi32, #tpu.memory_space<hbm>>, %arg4: memref<32x80x128xi32, #tpu.memory_space<hbm>>, %arg5: memref<2x10240x64xf32, #tpu.memory_space<hbm>>, %arg6: memref<80x128xi32, #tpu.memory_space<vmem>>, %arg7: memref<1x128xi32, #tpu.memory_space<vmem>>, %arg8: memref<1x128xi32, #tpu.memory_space<vmem>>, %arg9: memref<128x64xf32, #tpu.memory_space<vmem>>, %arg10: memref<128x64xf32, #tpu.memory_space<vmem>>, %arg11: memref<10240x64xf32, #tpu.memory_space<vmem_shared>>, %arg12: memref<!tpu.dma_semaphore, #tpu.memory_space<semaphore_mem>>, %arg13: memref<!tpu.dma_semaphore, #tpu.memory_space<semaphore_mem>>, %arg14: memref<!tpu.dma_semaphore, #tpu.memory_space<semaphore_mem>>, %arg15: memref<!tpu.dma_semaphore, #tpu.memory_space<semaphore_mem>>) attributes {dimension_semantics = [#tpu.dimension_semantics<core_parallel>, #tpu.dimension_semantics<subcore_parallel>], iteration_bounds = array<i64: 2, 16>, scalar_prefetch = 0 : i64, scratch_operands = 10 : i64, tpu.core_type = #tpu.core_type<sc_vector_subcore>, window_params = [{transform_indices = #map}, {transform_indices = #map1}, {transform_indices = #map1}, {transform_indices = #map1}]} {
    %mul3A = arith.constant 16 : i32
    %mul3A_0 = arith.muli %arg0, %mul3A : i32
    %add3A = arith.addi %mul3A_0, %arg1 : i32
    %scan3A = arith.constant 0 : i32
    %scan3A_1 = arith.constant 128 : i32
    %scan3A_2 = arith.addi %scan3A, %scan3A_1 : i32
    %scan3A_3 = arith.constant 1 : i32
    scf.for %scan3A_48 = %scan3A to %scan3A_2 step %scan3A_3  : i32 {
      %mul3A_49 = arith.constant 1 : i32
      %mul3A_50 = arith.muli %scan3A_48, %mul3A_49 : i32
      %add3A_51 = arith.constant 0 : i32
      %add3A_52 = arith.addi %add3A_51, %mul3A_50 : i32
      %scan3A_53 = arith.constant 0 : i32
      %scan3A_54 = arith.constant 4 : i32
      %scan3A_55 = arith.addi %scan3A_53, %scan3A_54 : i32
      %scan3A_56 = arith.constant 1 : i32
      scf.for %scan3A_58 = %scan3A_53 to %scan3A_55 step %scan3A_56  : i32 {
        %mul3A_59 = arith.constant 1 : i32
        %mul3A_60 = arith.muli %scan3A_58, %mul3A_59 : i32
        %add3A_61 = arith.constant 0 : i32
        %add3A_62 = arith.addi %add3A_61, %mul3A_60 : i32
        %broadcast_in_dim3A = arith.constant 0.000000e+00 : f32
        %broadcast_in_dim3A_63 = vector.broadcast %broadcast_in_dim3A : f32 to vector<16xf32>
        %mul3A_64 = arith.constant 16 : i32
        %mul3A_65 = arith.muli %add3A_62, %mul3A_64 : i32
        %swap3A = arith.index_cast %add3A_52 : i32 to index
        %swap3A_66 = arith.index_cast %mul3A_65 : i32 to index
        %swap3A_67 = tpu.vector_load %arg9[%swap3A, %swap3A_66] {strides = array<i32>} : memref<128x64xf32, #tpu.memory_space<vmem>>, vector<1x16xf32>,
        %swap3A_68 = vector.shape_cast %swap3A_67 : vector<1x16xf32> to vector<16xf32>
        %swap3A_69 = vector.shape_cast %broadcast_in_dim3A_63 : vector<16xf32> to vector<1x16xf32>
        tpu.vector_store %arg9[%swap3A, %swap3A_66], %swap3A_69 {strides = array<i32>} : memref<128x64xf32, #tpu.memory_space<vmem>>, vector<1x16xf32>,
      }
      %scan3A_57 = arith.constant 4 : i32
    }
    %scan3A_4 = arith.constant 128 : i32
    %scan3A_5 = arith.constant 0 : i32
    %scan3A_6 = arith.constant 5 : i32
    %scan3A_7 = arith.addi %scan3A_5, %scan3A_6 : i32
    %scan3A_8 = arith.constant 1 : i32
    scf.for %scan3A_48 = %scan3A_5 to %scan3A_7 step %scan3A_8  : i32 {
      %mul3A_49 = arith.constant 1 : i32
      %mul3A_50 = arith.muli %scan3A_48, %mul3A_49 : i32
      %add3A_51 = arith.constant 0 : i32
      %add3A_52 = arith.addi %add3A_51, %mul3A_50 : i32
      %mul3A_53 = arith.constant 640 : i32
      %mul3A_54 = arith.muli %arg1, %mul3A_53 : i32
      %mul3A_55 = arith.constant 128 : i32
      %mul3A_56 = arith.muli %add3A_52, %mul3A_55 : i32
      %add3A_57 = arith.addi %mul3A_54, %mul3A_56 : i32
      "tpu.region"() ({
        %run_scoped3A = tpu.sem_alloc : memref<!tpu.dma_semaphore, #tpu.memory_space<semaphore_mem>>
        %dma_start3A_58 = arith.constant 0 : i32
        %dma_start3A_59 = tpu.memref_slice %arg11[%add3A_57, %dma_start3A_58] : memref<10240x64xf32, #tpu.memory_space<vmem_shared>> -> memref<128x64xf32, #tpu.memory_space<vmem_shared>>
        %dma_start3A_60 = arith.constant 0 : i32
        %dma_start3A_61 = tpu.memref_slice %arg11[%add3A_57, %dma_start3A_60] : memref<10240x64xf32, #tpu.memory_space<vmem_shared>> -> memref<128x64xf32, #tpu.memory_space<vmem_shared>>
        tpu.enqueue_dma source(%arg9 : memref<128x64xf32, #tpu.memory_space<vmem>>) target(%dma_start3A_61 : memref<128x64xf32, #tpu.memory_space<vmem_shared>>) target_semaphore(%run_scoped3A : memref<!tpu.dma_semaphore, #tpu.memory_space<semaphore_mem>>)
        %dma_wait3A = arith.constant 0 : i32
        %dma_wait3A_62 = tpu.memref_slice %arg11[%add3A_57, %dma_wait3A] : memref<10240x64xf32, #tpu.memory_space<vmem_shared>> -> memref<128x64xf32, #tpu.memory_space<vmem_shared>>
        %dma_wait3A_63 = arith.constant 0 : i32
        %dma_wait3A_64 = tpu.memref_slice %arg11[%add3A_57, %dma_wait3A_63] : memref<10240x64xf32, #tpu.memory_space<vmem_shared>> -> memref<128x64xf32, #tpu.memory_space<vmem_shared>>
        tpu.wait_dma2 semaphore(%run_scoped3A : memref<!tpu.dma_semaphore, #tpu.memory_space<semaphore_mem>>) src(%arg9 : memref<128x64xf32, #tpu.memory_space<vmem>>) dst(%dma_wait3A_64 : memref<128x64xf32, #tpu.memory_space<vmem_shared>>)
        tpu.yield
      }) : () -> ()
    }
    %scan3A_9 = arith.constant 5 : i32
    %barrier3A = arith.constant 0 : index
    tpu.barrier barrier_id(%barrier3A)
    "tpu.region"() ({
      %run_scoped3A = tpu.sem_alloc : memref<!tpu.dma_semaphore, #tpu.memory_space<semaphore_mem>>
      %dma_start3A_48 = arith.constant 0 : i32
      %dma_start3A_49 = arith.constant 0 : i32
      %dma_start3A_50 = tpu.memref_slice %arg3[%add3A, %dma_start3A_48, %dma_start3A_49] : memref<32x80x128xi32, #tpu.memory_space<hbm>> -> memref<1x80x128xi32, #tpu.memory_space<hbm>>
      %dma_start3A_51 = tpu.memref_squeeze %dma_start3A_50 : memref<1x80x128xi32, #tpu.memory_space<hbm>> -> memref<80x128xi32, #tpu.memory_space<hbm>>
      %dma_start3A_52 = arith.constant 0 : i32
      %dma_start3A_53 = arith.constant 0 : i32
      %dma_start3A_54 = tpu.memref_slice %arg3[%add3A, %dma_start3A_52, %dma_start3A_53] : memref<32x80x128xi32, #tpu.memory_space<hbm>> -> memref<1x80x128xi32, #tpu.memory_space<hbm>>
      %dma_start3A_55 = tpu.memref_squeeze %dma_start3A_54 : memref<1x80x128xi32, #tpu.memory_space<hbm>> -> memref<80x128xi32, #tpu.memory_space<hbm>>
      tpu.enqueue_dma source(%dma_start3A_55 : memref<80x128xi32, #tpu.memory_space<hbm>>) target(%arg6 : memref<80x128xi32, #tpu.memory_space<vmem>>) target_semaphore(%run_scoped3A : memref<!tpu.dma_semaphore, #tpu.memory_space<semaphore_mem>>)
      %dma_wait3A = arith.constant 0 : i32
      %dma_wait3A_56 = arith.constant 0 : i32
      %dma_wait3A_57 = tpu.memref_slice %arg3[%add3A, %dma_wait3A, %dma_wait3A_56] : memref<32x80x128xi32, #tpu.memory_space<hbm>> -> memref<1x80x128xi32, #tpu.memory_space<hbm>>
      %dma_wait3A_58 = tpu.memref_squeeze %dma_wait3A_57 : memref<1x80x128xi32, #tpu.memory_space<hbm>> -> memref<80x128xi32, #tpu.memory_space<hbm>>
      %dma_wait3A_59 = arith.constant 0 : i32
      %dma_wait3A_60 = arith.constant 0 : i32
      %dma_wait3A_61 = tpu.memref_slice %arg3[%add3A, %dma_wait3A_59, %dma_wait3A_60] : memref<32x80x128xi32, #tpu.memory_space<hbm>> -> memref<1x80x128xi32, #tpu.memory_space<hbm>>
      %dma_wait3A_62 = tpu.memref_squeeze %dma_wait3A_61 : memref<1x80x128xi32, #tpu.memory_space<hbm>> -> memref<80x128xi32, #tpu.memory_space<hbm>>
      tpu.wait_dma2 semaphore(%run_scoped3A : memref<!tpu.dma_semaphore, #tpu.memory_space<semaphore_mem>>) src(%dma_wait3A_62 : memref<80x128xi32, #tpu.memory_space<hbm>>) dst(%arg6 : memref<80x128xi32, #tpu.memory_space<vmem>>)
      tpu.yield
    }) : () -> ()
    %dma_start3A = arith.constant 0 : i32
    %dma_start3A_10 = arith.constant 0 : i32
    %dma_start3A_11 = tpu.memref_slice %arg6[%dma_start3A, %dma_start3A_10] : memref<80x128xi32, #tpu.memory_space<vmem>> -> memref<1x128xi32, #tpu.memory_space<vmem>>
    %dma_start3A_12 = tpu.memref_squeeze %dma_start3A_11 : memref<1x128xi32, #tpu.memory_space<vmem>> -> memref<128xi32, #tpu.memory_space<vmem>>
    %dma_start3A_13 = arith.constant 0 : i32
    %dma_start3A_14 = arith.constant 0 : i32
    %dma_start3A_15 = tpu.memref_slice %arg2[%dma_start3A_13, %dma_start3A_14] : memref<10240x64xf32, #tpu.memory_space<hbm>> -> memref<10240x64xf32, #tpu.memory_space<hbm>>
    tpu.enqueue_indirect_dma source(%dma_start3A_15 : memref<10240x64xf32, #tpu.memory_space<hbm>>) target(%arg9 : memref<128x64xf32, #tpu.memory_space<vmem>>) offsets(%dma_start3A_12 : memref<128xi32, #tpu.memory_space<vmem>>) semaphore(%arg12 : memref<!tpu.dma_semaphore, #tpu.memory_space<semaphore_mem>>)
    %dma_start3A_16 = arith.constant 0 : i32
    %dma_start3A_17 = arith.constant 0 : i32
    %dma_start3A_18 = arith.constant 0 : i32
    %dma_start3A_19 = tpu.memref_slice %arg7[%dma_start3A_17, %dma_start3A_18] : memref<1x128xi32, #tpu.memory_space<vmem>> -> memref<1x128xi32, #tpu.memory_space<vmem>>
    %dma_start3A_20 = tpu.memref_squeeze %dma_start3A_19 : memref<1x128xi32, #tpu.memory_space<vmem>> -> memref<128xi32, #tpu.memory_space<vmem>>
    %dma_start3A_21 = arith.constant 0 : i32
    %dma_start3A_22 = arith.constant 0 : i32
    %dma_start3A_23 = tpu.memref_slice %arg4[%add3A, %dma_start3A_21, %dma_start3A_22] : memref<32x80x128xi32, #tpu.memory_space<hbm>> -> memref<1x80x128xi32, #tpu.memory_space<hbm>>
    %dma_start3A_24 = tpu.memref_squeeze %dma_start3A_23 : memref<1x80x128xi32, #tpu.memory_space<hbm>> -> memref<80x128xi32, #tpu.memory_space<hbm>>
    %dma_start3A_25 = arith.constant 0 : i32
    %dma_start3A_26 = tpu.memref_slice %dma_start3A_24[%dma_start3A_16, %dma_start3A_25] : memref<80x128xi32, #tpu.memory_space<hbm>> -> memref<1x128xi32, #tpu.memory_space<hbm>>
    %dma_start3A_27 = tpu.memref_squeeze %dma_start3A_26 : memref<1x128xi32, #tpu.memory_space<hbm>> -> memref<128xi32, #tpu.memory_space<hbm>>
    %dma_start3A_28 = arith.constant 0 : i32
    %dma_start3A_29 = tpu.memref_slice %arg7[%dma_start3A_17, %dma_start3A_28] : memref<1x128xi32, #tpu.memory_space<vmem>> -> memref<1x128xi32, #tpu.memory_space<vmem>>
    %dma_start3A_30 = tpu.memref_squeeze %dma_start3A_29 : memref<1x128xi32, #tpu.memory_space<vmem>> -> memref<128xi32, #tpu.memory_space<vmem>>
    %dma_start3A_31 = arith.constant 0 : i32
    %dma_start3A_32 = arith.constant 0 : i32
    %dma_start3A_33 = tpu.memref_slice %arg4[%add3A, %dma_start3A_31, %dma_start3A_32] : memref<32x80x128xi32, #tpu.memory_space<hbm>> -> memref<1x80x128xi32, #tpu.memory_space<hbm>>
    %dma_start3A_34 = tpu.memref_squeeze %dma_start3A_33 : memref<1x80x128xi32, #tpu.memory_space<hbm>> -> memref<80x128xi32, #tpu.memory_space<hbm>>
    %dma_start3A_35 = arith.constant 0 : i32
    %dma_start3A_36 = tpu.memref_slice %dma_start3A_34[%dma_start3A_16, %dma_start3A_35] : memref<80x128xi32, #tpu.memory_space<hbm>> -> memref<1x128xi32, #tpu.memory_space<hbm>>
    %dma_start3A_37 = tpu.memref_squeeze %dma_start3A_36 : memref<1x128xi32, #tpu.memory_space<hbm>> -> memref<128xi32, #tpu.memory_space<hbm>>
    tpu.enqueue_dma source(%dma_start3A_37 : memref<128xi32, #tpu.memory_space<hbm>>) target(%dma_start3A_30 : memref<128xi32, #tpu.memory_space<vmem>>) target_semaphore(%arg14 : memref<!tpu.dma_semaphore, #tpu.memory_space<semaphore_mem>>)
    %scan3A_38 = arith.constant 0 : i32
    %scan3A_39 = arith.constant 40 : i32
    %scan3A_40 = arith.addi %scan3A_38, %scan3A_39 : i32
    %scan3A_41 = arith.constant 1 : i32
    scf.for %scan3A_48 = %scan3A_38 to %scan3A_40 step %scan3A_41  : i32 {
      %mul3A_49 = arith.constant 1 : i32
      %mul3A_50 = arith.muli %scan3A_48, %mul3A_49 : i32
      %add3A_51 = arith.constant 0 : i32
      %add3A_52 = arith.addi %add3A_51, %mul3A_50 : i32
      %mul3A_53 = arith.constant 2 : i32
      %mul3A_54 = arith.muli %mul3A_53, %add3A_52 : i32
      %add3A_55 = arith.constant 1 : i32
      %add3A_56 = arith.addi %mul3A_54, %add3A_55 : i32
      %dma_start3A_57 = arith.constant 0 : i32
      %dma_start3A_58 = tpu.memref_slice %arg6[%add3A_56, %dma_start3A_57] : memref<80x128xi32, #tpu.memory_space<vmem>> -> memref<1x128xi32, #tpu.memory_space<vmem>>
      %dma_start3A_59 = tpu.memref_squeeze %dma_start3A_58 : memref<1x128xi32, #tpu.memory_space<vmem>> -> memref<128xi32, #tpu.memory_space<vmem>>
      %dma_start3A_60 = arith.constant 0 : i32
      %dma_start3A_61 = arith.constant 0 : i32
      %dma_start3A_62 = tpu.memref_slice %arg2[%dma_start3A_60, %dma_start3A_61] : memref<10240x64xf32, #tpu.memory_space<hbm>> -> memref<10240x64xf32, #tpu.memory_space<hbm>>
      tpu.enqueue_indirect_dma source(%dma_start3A_62 : memref<10240x64xf32, #tpu.memory_space<hbm>>) target(%arg10 : memref<128x64xf32, #tpu.memory_space<vmem>>) offsets(%dma_start3A_59 : memref<128xi32, #tpu.memory_space<vmem>>) semaphore(%arg13 : memref<!tpu.dma_semaphore, #tpu.memory_space<semaphore_mem>>)
      %add3A_63 = arith.constant 1 : i32
      %add3A_64 = arith.addi %mul3A_54, %add3A_63 : i32
      %dma_start3A_65 = arith.constant 0 : i32
      %dma_start3A_66 = arith.constant 0 : i32
      %dma_start3A_67 = tpu.memref_slice %arg8[%dma_start3A_65, %dma_start3A_66] : memref<1x128xi32, #tpu.memory_space<vmem>> -> memref<1x128xi32, #tpu.memory_space<vmem>>
      %dma_start3A_68 = tpu.memref_squeeze %dma_start3A_67 : memref<1x128xi32, #tpu.memory_space<vmem>> -> memref<128xi32, #tpu.memory_space<vmem>>
      %dma_start3A_69 = arith.constant 0 : i32
      %dma_start3A_70 = arith.constant 0 : i32
      %dma_start3A_71 = tpu.memref_slice %arg4[%add3A, %dma_start3A_69, %dma_start3A_70] : memref<32x80x128xi32, #tpu.memory_space<hbm>> -> memref<1x80x128xi32, #tpu.memory_space<hbm>>
      %dma_start3A_72 = tpu.memref_squeeze %dma_start3A_71 : memref<1x80x128xi32, #tpu.memory_space<hbm>> -> memref<80x128xi32, #tpu.memory_space<hbm>>
      %dma_start3A_73 = arith.constant 0 : i32
      %dma_start3A_74 = tpu.memref_slice %dma_start3A_72[%add3A_64, %dma_start3A_73] : memref<80x128xi32, #tpu.memory_space<hbm>> -> memref<1x128xi32, #tpu.memory_space<hbm>>
      %dma_start3A_75 = tpu.memref_squeeze %dma_start3A_74 : memref<1x128xi32, #tpu.memory_space<hbm>> -> memref<128xi32, #tpu.memory_space<hbm>>
      %dma_start3A_76 = arith.constant 0 : i32
      %dma_start3A_77 = tpu.memref_slice %arg8[%dma_start3A_65, %dma_start3A_76] : memref<1x128xi32, #tpu.memory_space<vmem>> -> memref<1x128xi32, #tpu.memory_space<vmem>>
      %dma_start3A_78 = tpu.memref_squeeze %dma_start3A_77 : memref<1x128xi32, #tpu.memory_space<vmem>> -> memref<128xi32, #tpu.memory_space<vmem>>
      %dma_start3A_79 = arith.constant 0 : i32
      %dma_start3A_80 = arith.constant 0 : i32
      %dma_start3A_81 = tpu.memref_slice %arg4[%add3A, %dma_start3A_79, %dma_start3A_80] : memref<32x80x128xi32, #tpu.memory_space<hbm>> -> memref<1x80x128xi32, #tpu.memory_space<hbm>>
      %dma_start3A_82 = tpu.memref_squeeze %dma_start3A_81 : memref<1x80x128xi32, #tpu.memory_space<hbm>> -> memref<80x128xi32, #tpu.memory_space<hbm>>
      %dma_start3A_83 = arith.constant 0 : i32
      %dma_start3A_84 = tpu.memref_slice %dma_start3A_82[%add3A_64, %dma_start3A_83] : memref<80x128xi32, #tpu.memory_space<hbm>> -> memref<1x128xi32, #tpu.memory_space<hbm>>
      %dma_start3A_85 = tpu.memref_squeeze %dma_start3A_84 : memref<1x128xi32, #tpu.memory_space<hbm>> -> memref<128xi32, #tpu.memory_space<hbm>>
      tpu.enqueue_dma source(%dma_start3A_85 : memref<128xi32, #tpu.memory_space<hbm>>) target(%dma_start3A_78 : memref<128xi32, #tpu.memory_space<vmem>>) target_semaphore(%arg15 : memref<!tpu.dma_semaphore, #tpu.memory_space<semaphore_mem>>)
      %dma_wait3A = arith.constant 0 : i32
      %dma_wait3A_86 = tpu.memref_slice %arg6[%mul3A_54, %dma_wait3A] : memref<80x128xi32, #tpu.memory_space<vmem>> -> memref<1x128xi32, #tpu.memory_space<vmem>>
      %dma_wait3A_87 = tpu.memref_squeeze %dma_wait3A_86 : memref<1x128xi32, #tpu.memory_space<vmem>> -> memref<128xi32, #tpu.memory_space<vmem>>
      %dma_wait3A_88 = arith.constant 0 : i32
      %dma_wait3A_89 = arith.constant 0 : i32
      %dma_wait3A_90 = tpu.memref_slice %arg2[%dma_wait3A_88, %dma_wait3A_89] : memref<10240x64xf32, #tpu.memory_space<hbm>> -> memref<10240x64xf32, #tpu.memory_space<hbm>>
      tpu.wait_indirect_dma semaphore(%arg12 : memref<!tpu.dma_semaphore, #tpu.memory_space<semaphore_mem>>) src(%dma_wait3A_90 : memref<10240x64xf32, #tpu.memory_space<hbm>>) dst(%arg9 : memref<128x64xf32, #tpu.memory_space<vmem>>)
      %dma_wait3A_91 = arith.constant 0 : i32
      %dma_wait3A_92 = arith.constant 0 : i32
      %dma_wait3A_93 = tpu.memref_slice %arg7[%dma_wait3A_91, %dma_wait3A_92] : memref<1x128xi32, #tpu.memory_space<vmem>> -> memref<1x128xi32, #tpu.memory_space<vmem>>
      %dma_wait3A_94 = tpu.memref_squeeze %dma_wait3A_93 : memref<1x128xi32, #tpu.memory_space<vmem>> -> memref<128xi32, #tpu.memory_space<vmem>>
      %dma_wait3A_95 = arith.constant 0 : i32
      %dma_wait3A_96 = arith.constant 0 : i32
      %dma_wait3A_97 = tpu.memref_slice %arg4[%add3A, %dma_wait3A_95, %dma_wait3A_96] : memref<32x80x128xi32, #tpu.memory_space<hbm>> -> memref<1x80x128xi32, #tpu.memory_space<hbm>>
      %dma_wait3A_98 = tpu.memref_squeeze %dma_wait3A_97 : memref<1x80x128xi32, #tpu.memory_space<hbm>> -> memref<80x128xi32, #tpu.memory_space<hbm>>
      %dma_wait3A_99 = arith.constant 0 : i32
      %dma_wait3A_100 = tpu.memref_slice %dma_wait3A_98[%mul3A_54, %dma_wait3A_99] : memref<80x128xi32, #tpu.memory_space<hbm>> -> memref<1x128xi32, #tpu.memory_space<hbm>>
      %dma_wait3A_101 = tpu.memref_squeeze %dma_wait3A_100 : memref<1x128xi32, #tpu.memory_space<hbm>> -> memref<128xi32, #tpu.memory_space<hbm>>
      %dma_wait3A_102 = arith.constant 0 : i32
      %dma_wait3A_103 = tpu.memref_slice %arg7[%dma_wait3A_91, %dma_wait3A_102] : memref<1x128xi32, #tpu.memory_space<vmem>> -> memref<1x128xi32, #tpu.memory_space<vmem>>
      %dma_wait3A_104 = tpu.memref_squeeze %dma_wait3A_103 : memref<1x128xi32, #tpu.memory_space<vmem>> -> memref<128xi32, #tpu.memory_space<vmem>>
      %dma_wait3A_105 = arith.constant 0 : i32
      %dma_wait3A_106 = arith.constant 0 : i32
      %dma_wait3A_107 = tpu.memref_slice %arg4[%add3A, %dma_wait3A_105, %dma_wait3A_106] : memref<32x80x128xi32, #tpu.memory_space<hbm>> -> memref<1x80x128xi32, #tpu.memory_space<hbm>>
      %dma_wait3A_108 = tpu.memref_squeeze %dma_wait3A_107 : memref<1x80x128xi32, #tpu.memory_space<hbm>> -> memref<80x128xi32, #tpu.memory_space<hbm>>
      %dma_wait3A_109 = arith.constant 0 : i32
      %dma_wait3A_110 = tpu.memref_slice %dma_wait3A_108[%mul3A_54, %dma_wait3A_109] : memref<80x128xi32, #tpu.memory_space<hbm>> -> memref<1x128xi32, #tpu.memory_space<hbm>>
      %dma_wait3A_111 = tpu.memref_squeeze %dma_wait3A_110 : memref<1x128xi32, #tpu.memory_space<hbm>> -> memref<128xi32, #tpu.memory_space<hbm>>
      tpu.wait_dma2 semaphore(%arg14 : memref<!tpu.dma_semaphore, #tpu.memory_space<semaphore_mem>>) src(%dma_wait3A_111 : memref<128xi32, #tpu.memory_space<hbm>>) dst(%dma_wait3A_104 : memref<128xi32, #tpu.memory_space<vmem>>)
      %run_scoped3A = arith.constant 0 : i32
      "tpu.region"() ({
        %run_scoped3A_148 = tpu.sem_alloc : memref<!tpu.dma_semaphore, #tpu.memory_space<semaphore_mem>>
        %dma_start3A_149 = arith.constant 0 : i32
        %dma_start3A_150 = tpu.memref_slice %arg7[%run_scoped3A, %dma_start3A_149] : memref<1x128xi32, #tpu.memory_space<vmem>> -> memref<1x128xi32, #tpu.memory_space<vmem>>
        %dma_start3A_151 = tpu.memref_squeeze %dma_start3A_150 : memref<1x128xi32, #tpu.memory_space<vmem>> -> memref<128xi32, #tpu.memory_space<vmem>>
        %dma_start3A_152 = arith.constant 0 : i32
        %dma_start3A_153 = arith.constant 0 : i32
        %dma_start3A_154 = tpu.memref_slice %arg11[%dma_start3A_152, %dma_start3A_153] : memref<10240x64xf32, #tpu.memory_space<vmem_shared>> -> memref<10240x64xf32, #tpu.memory_space<vmem_shared>>
        tpu.enqueue_indirect_dma source(%arg9 : memref<128x64xf32, #tpu.memory_space<vmem>>) target(%dma_start3A_154 : memref<10240x64xf32, #tpu.memory_space<vmem_shared>>) offsets(%dma_start3A_151 : memref<128xi32, #tpu.memory_space<vmem>>) semaphore(%run_scoped3A_148 : memref<!tpu.dma_semaphore, #tpu.memory_space<semaphore_mem>>) {add = true}
        %dma_wait3A_155 = arith.constant 0 : i32
        %dma_wait3A_156 = tpu.memref_slice %arg7[%run_scoped3A, %dma_wait3A_155] : memref<1x128xi32, #tpu.memory_space<vmem>> -> memref<1x128xi32, #tpu.memory_space<vmem>>
        %dma_wait3A_157 = tpu.memref_squeeze %dma_wait3A_156 : memref<1x128xi32, #tpu.memory_space<vmem>> -> memref<128xi32, #tpu.memory_space<vmem>>
        %dma_wait3A_158 = arith.constant 0 : i32
        %dma_wait3A_159 = arith.constant 0 : i32
        %dma_wait3A_160 = tpu.memref_slice %arg11[%dma_wait3A_158, %dma_wait3A_159] : memref<10240x64xf32, #tpu.memory_space<vmem_shared>> -> memref<10240x64xf32, #tpu.memory_space<vmem_shared>>
        tpu.wait_indirect_dma semaphore(%run_scoped3A_148 : memref<!tpu.dma_semaphore, #tpu.memory_space<semaphore_mem>>) src(%arg9 : memref<128x64xf32, #tpu.memory_space<vmem>>) dst(%dma_wait3A_160 : memref<10240x64xf32, #tpu.memory_space<vmem_shared>>)
        tpu.yield
      }) : () -> ()
      %add3A_112 = arith.constant 1 : i32
      %add3A_113 = arith.addi %add3A_52, %add3A_112 : i32
      %lt3A = arith.constant 40 : i32
      %lt3A_114 = arith.cmpi slt, %add3A_113, %lt3A : i32
      %convert_element_type3A = arith.extui %lt3A_114 : i1 to i32
      %cond3A = arith.constant 0 : i32
      %cond3A_115 = arith.cmpi ne, %convert_element_type3A, %cond3A : i32
      scf.if %cond3A_115 {
        %add3A_148 = arith.constant 2 : i32
        %add3A_149 = arith.addi %mul3A_54, %add3A_148 : i32
        %dma_start3A_150 = arith.constant 0 : i32
        %dma_start3A_151 = tpu.memref_slice %arg6[%add3A_149, %dma_start3A_150] : memref<80x128xi32, #tpu.memory_space<vmem>> -> memref<1x128xi32, #tpu.memory_space<vmem>>
        %dma_start3A_152 = tpu.memref_squeeze %dma_start3A_151 : memref<1x128xi32, #tpu.memory_space<vmem>> -> memref<128xi32, #tpu.memory_space<vmem>>
        %dma_start3A_153 = arith.constant 0 : i32
        %dma_start3A_154 = arith.constant 0 : i32
        %dma_start3A_155 = tpu.memref_slice %arg2[%dma_start3A_153, %dma_start3A_154] : memref<10240x64xf32, #tpu.memory_space<hbm>> -> memref<10240x64xf32, #tpu.memory_space<hbm>>
        tpu.enqueue_indirect_dma source(%dma_start3A_155 : memref<10240x64xf32, #tpu.memory_space<hbm>>) target(%arg9 : memref<128x64xf32, #tpu.memory_space<vmem>>) offsets(%dma_start3A_152 : memref<128xi32, #tpu.memory_space<vmem>>) semaphore(%arg12 : memref<!tpu.dma_semaphore, #tpu.memory_space<semaphore_mem>>)
        %add3A_156 = arith.constant 2 : i32
        %add3A_157 = arith.addi %mul3A_54, %add3A_156 : i32
        %dma_start3A_158 = arith.constant 0 : i32
        %dma_start3A_159 = arith.constant 0 : i32
        %dma_start3A_160 = tpu.memref_slice %arg7[%dma_start3A_158, %dma_start3A_159] : memref<1x128xi32, #tpu.memory_space<vmem>> -> memref<1x128xi32, #tpu.memory_space<vmem>>
        %dma_start3A_161 = tpu.memref_squeeze %dma_start3A_160 : memref<1x128xi32, #tpu.memory_space<vmem>> -> memref<128xi32, #tpu.memory_space<vmem>>
        %dma_start3A_162 = arith.constant 0 : i32
        %dma_start3A_163 = arith.constant 0 : i32
        %dma_start3A_164 = tpu.memref_slice %arg4[%add3A, %dma_start3A_162, %dma_start3A_163] : memref<32x80x128xi32, #tpu.memory_space<hbm>> -> memref<1x80x128xi32, #tpu.memory_space<hbm>>
        %dma_start3A_165 = tpu.memref_squeeze %dma_start3A_164 : memref<1x80x128xi32, #tpu.memory_space<hbm>> -> memref<80x128xi32, #tpu.memory_space<hbm>>
        %dma_start3A_166 = arith.constant 0 : i32
        %dma_start3A_167 = tpu.memref_slice %dma_start3A_165[%add3A_157, %dma_start3A_166] : memref<80x128xi32, #tpu.memory_space<hbm>> -> memref<1x128xi32, #tpu.memory_space<hbm>>
        %dma_start3A_168 = tpu.memref_squeeze %dma_start3A_167 : memref<1x128xi32, #tpu.memory_space<hbm>> -> memref<128xi32, #tpu.memory_space<hbm>>
        %dma_start3A_169 = arith.constant 0 : i32
        %dma_start3A_170 = tpu.memref_slice %arg7[%dma_start3A_158, %dma_start3A_169] : memref<1x128xi32, #tpu.memory_space<vmem>> -> memref<1x128xi32, #tpu.memory_space<vmem>>
        %dma_start3A_171 = tpu.memref_squeeze %dma_start3A_170 : memref<1x128xi32, #tpu.memory_space<vmem>> -> memref<128xi32, #tpu.memory_space<vmem>>
        %dma_start3A_172 = arith.constant 0 : i32
        %dma_start3A_173 = arith.constant 0 : i32
        %dma_start3A_174 = tpu.memref_slice %arg4[%add3A, %dma_start3A_172, %dma_start3A_173] : memref<32x80x128xi32, #tpu.memory_space<hbm>> -> memref<1x80x128xi32, #tpu.memory_space<hbm>>
        %dma_start3A_175 = tpu.memref_squeeze %dma_start3A_174 : memref<1x80x128xi32, #tpu.memory_space<hbm>> -> memref<80x128xi32, #tpu.memory_space<hbm>>
        %dma_start3A_176 = arith.constant 0 : i32
        %dma_start3A_177 = tpu.memref_slice %dma_start3A_175[%add3A_157, %dma_start3A_176] : memref<80x128xi32, #tpu.memory_space<hbm>> -> memref<1x128xi32, #tpu.memory_space<hbm>>
        %dma_start3A_178 = tpu.memref_squeeze %dma_start3A_177 : memref<1x128xi32, #tpu.memory_space<hbm>> -> memref<128xi32, #tpu.memory_space<hbm>>
        tpu.enqueue_dma source(%dma_start3A_178 : memref<128xi32, #tpu.memory_space<hbm>>) target(%dma_start3A_171 : memref<128xi32, #tpu.memory_space<vmem>>) target_semaphore(%arg14 : memref<!tpu.dma_semaphore, #tpu.memory_space<semaphore_mem>>)
      } else {
      }
      %add3A_116 = arith.constant 1 : i32
      %add3A_117 = arith.addi %mul3A_54, %add3A_116 : i32
      %dma_wait3A_118 = arith.constant 0 : i32
      %dma_wait3A_119 = tpu.memref_slice %arg6[%add3A_117, %dma_wait3A_118] : memref<80x128xi32, #tpu.memory_space<vmem>> -> memref<1x128xi32, #tpu.memory_space<vmem>>
      %dma_wait3A_120 = tpu.memref_squeeze %dma_wait3A_119 : memref<1x128xi32, #tpu.memory_space<vmem>> -> memref<128xi32, #tpu.memory_space<vmem>>
      %dma_wait3A_121 = arith.constant 0 : i32
      %dma_wait3A_122 = arith.constant 0 : i32
      %dma_wait3A_123 = tpu.memref_slice %arg2[%dma_wait3A_121, %dma_wait3A_122] : memref<10240x64xf32, #tpu.memory_space<hbm>> -> memref<10240x64xf32, #tpu.memory_space<hbm>>
      tpu.wait_indirect_dma semaphore(%arg13 : memref<!tpu.dma_semaphore, #tpu.memory_space<semaphore_mem>>) src(%dma_wait3A_123 : memref<10240x64xf32, #tpu.memory_space<hbm>>) dst(%arg10 : memref<128x64xf32, #tpu.memory_space<vmem>>)
      %add3A_124 = arith.constant 1 : i32
      %add3A_125 = arith.addi %mul3A_54, %add3A_124 : i32
      %dma_wait3A_126 = arith.constant 0 : i32
      %dma_wait3A_127 = arith.constant 0 : i32
      %dma_wait3A_128 = tpu.memref_slice %arg8[%dma_wait3A_126, %dma_wait3A_127] : memref<1x128xi32, #tpu.memory_space<vmem>> -> memref<1x128xi32, #tpu.memory_space<vmem>>
      %dma_wait3A_129 = tpu.memref_squeeze %dma_wait3A_128 : memref<1x128xi32, #tpu.memory_space<vmem>> -> memref<128xi32, #tpu.memory_space<vmem>>
      %dma_wait3A_130 = arith.constant 0 : i32
      %dma_wait3A_131 = arith.constant 0 : i32
      %dma_wait3A_132 = tpu.memref_slice %arg4[%add3A, %dma_wait3A_130, %dma_wait3A_131] : memref<32x80x128xi32, #tpu.memory_space<hbm>> -> memref<1x80x128xi32, #tpu.memory_space<hbm>>
      %dma_wait3A_133 = tpu.memref_squeeze %dma_wait3A_132 : memref<1x80x128xi32, #tpu.memory_space<hbm>> -> memref<80x128xi32, #tpu.memory_space<hbm>>
      %dma_wait3A_134 = arith.constant 0 : i32
      %dma_wait3A_135 = tpu.memref_slice %dma_wait3A_133[%add3A_125, %dma_wait3A_134] : memref<80x128xi32, #tpu.memory_space<hbm>> -> memref<1x128xi32, #tpu.memory_space<hbm>>
      %dma_wait3A_136 = tpu.memref_squeeze %dma_wait3A_135 : memref<1x128xi32, #tpu.memory_space<hbm>> -> memref<128xi32, #tpu.memory_space<hbm>>
      %dma_wait3A_137 = arith.constant 0 : i32
      %dma_wait3A_138 = tpu.memref_slice %arg8[%dma_wait3A_126, %dma_wait3A_137] : memref<1x128xi32, #tpu.memory_space<vmem>> -> memref<1x128xi32, #tpu.memory_space<vmem>>
      %dma_wait3A_139 = tpu.memref_squeeze %dma_wait3A_138 : memref<1x128xi32, #tpu.memory_space<vmem>> -> memref<128xi32, #tpu.memory_space<vmem>>
      %dma_wait3A_140 = arith.constant 0 : i32
      %dma_wait3A_141 = arith.constant 0 : i32
      %dma_wait3A_142 = tpu.memref_slice %arg4[%add3A, %dma_wait3A_140, %dma_wait3A_141] : memref<32x80x128xi32, #tpu.memory_space<hbm>> -> memref<1x80x128xi32, #tpu.memory_space<hbm>>
      %dma_wait3A_143 = tpu.memref_squeeze %dma_wait3A_142 : memref<1x80x128xi32, #tpu.memory_space<hbm>> -> memref<80x128xi32, #tpu.memory_space<hbm>>
      %dma_wait3A_144 = arith.constant 0 : i32
      %dma_wait3A_145 = tpu.memref_slice %dma_wait3A_143[%add3A_125, %dma_wait3A_144] : memref<80x128xi32, #tpu.memory_space<hbm>> -> memref<1x128xi32, #tpu.memory_space<hbm>>
      %dma_wait3A_146 = tpu.memref_squeeze %dma_wait3A_145 : memref<1x128xi32, #tpu.memory_space<hbm>> -> memref<128xi32, #tpu.memory_space<hbm>>
      tpu.wait_dma2 semaphore(%arg15 : memref<!tpu.dma_semaphore, #tpu.memory_space<semaphore_mem>>) src(%dma_wait3A_146 : memref<128xi32, #tpu.memory_space<hbm>>) dst(%dma_wait3A_139 : memref<128xi32, #tpu.memory_space<vmem>>)
      %run_scoped3A_147 = arith.constant 0 : i32
      "tpu.region"() ({
        %run_scoped3A_148 = tpu.sem_alloc : memref<!tpu.dma_semaphore, #tpu.memory_space<semaphore_mem>>
        %dma_start3A_149 = arith.constant 0 : i32
        %dma_start3A_150 = tpu.memref_slice %arg8[%run_scoped3A_147, %dma_start3A_149] : memref<1x128xi32, #tpu.memory_space<vmem>> -> memref<1x128xi32, #tpu.memory_space<vmem>>
        %dma_start3A_151 = tpu.memref_squeeze %dma_start3A_150 : memref<1x128xi32, #tpu.memory_space<vmem>> -> memref<128xi32, #tpu.memory_space<vmem>>
        %dma_start3A_152 = arith.constant 0 : i32
        %dma_start3A_153 = arith.constant 0 : i32
        %dma_start3A_154 = tpu.memref_slice %arg11[%dma_start3A_152, %dma_start3A_153] : memref<10240x64xf32, #tpu.memory_space<vmem_shared>> -> memref<10240x64xf32, #tpu.memory_space<vmem_shared>>
        tpu.enqueue_indirect_dma source(%arg10 : memref<128x64xf32, #tpu.memory_space<vmem>>) target(%dma_start3A_154 : memref<10240x64xf32, #tpu.memory_space<vmem_shared>>) offsets(%dma_start3A_151 : memref<128xi32, #tpu.memory_space<vmem>>) semaphore(%run_scoped3A_148 : memref<!tpu.dma_semaphore, #tpu.memory_space<semaphore_mem>>) {add = true}
        %dma_wait3A_155 = arith.constant 0 : i32
        %dma_wait3A_156 = tpu.memref_slice %arg8[%run_scoped3A_147, %dma_wait3A_155] : memref<1x128xi32, #tpu.memory_space<vmem>> -> memref<1x128xi32, #tpu.memory_space<vmem>>
        %dma_wait3A_157 = tpu.memref_squeeze %dma_wait3A_156 : memref<1x128xi32, #tpu.memory_space<vmem>> -> memref<128xi32, #tpu.memory_space<vmem>>
        %dma_wait3A_158 = arith.constant 0 : i32
        %dma_wait3A_159 = arith.constant 0 : i32
        %dma_wait3A_160 = tpu.memref_slice %arg11[%dma_wait3A_158, %dma_wait3A_159] : memref<10240x64xf32, #tpu.memory_space<vmem_shared>> -> memref<10240x64xf32, #tpu.memory_space<vmem_shared>>
        tpu.wait_indirect_dma semaphore(%run_scoped3A_148 : memref<!tpu.dma_semaphore, #tpu.memory_space<semaphore_mem>>) src(%arg10 : memref<128x64xf32, #tpu.memory_space<vmem>>) dst(%dma_wait3A_160 : memref<10240x64xf32, #tpu.memory_space<vmem_shared>>)
        tpu.yield
      }) : () -> ()
    }
    %scan3A_42 = arith.constant 40 : i32
    %barrier3A_43 = arith.constant 0 : index
    tpu.barrier barrier_id(%barrier3A_43)
    %mul3A_44 = arith.constant 640 : i32
    %mul3A_45 = arith.muli %arg1, %mul3A_44 : i32
    %mul3A_46 = arith.constant 640 : i32
    %mul3A_47 = arith.muli %arg1, %mul3A_46 : i32
    "tpu.region"() ({
      %run_scoped3A = tpu.sem_alloc : memref<!tpu.dma_semaphore, #tpu.memory_space<semaphore_mem>>
      %dma_start3A_48 = arith.constant 0 : i32
      %dma_start3A_49 = arith.constant 0 : i32
      %dma_start3A_50 = tpu.memref_slice %arg5[%arg0, %dma_start3A_48, %dma_start3A_49] : memref<2x10240x64xf32, #tpu.memory_space<hbm>> -> memref<1x10240x64xf32, #tpu.memory_space<hbm>>
      %dma_start3A_51 = tpu.memref_squeeze %dma_start3A_50 : memref<1x10240x64xf32, #tpu.memory_space<hbm>> -> memref<10240x64xf32, #tpu.memory_space<hbm>>
      %dma_start3A_52 = arith.constant 0 : i32
      %dma_start3A_53 = tpu.memref_slice %dma_start3A_51[%mul3A_47, %dma_start3A_52] : memref<10240x64xf32, #tpu.memory_space<hbm>> -> memref<640x64xf32, #tpu.memory_space<hbm>>
      %dma_start3A_54 = arith.constant 0 : i32
      %dma_start3A_55 = tpu.memref_slice %arg11[%mul3A_45, %dma_start3A_54] : memref<10240x64xf32, #tpu.memory_space<vmem_shared>> -> memref<640x64xf32, #tpu.memory_space<vmem_shared>>
      tpu.enqueue_dma source(%dma_start3A_55 : memref<640x64xf32, #tpu.memory_space<vmem_shared>>) target(%dma_start3A_53 : memref<640x64xf32, #tpu.memory_space<hbm>>) target_semaphore(%run_scoped3A : memref<!tpu.dma_semaphore, #tpu.memory_space<semaphore_mem>>)
      %dma_wait3A = arith.constant 0 : i32
      %dma_wait3A_56 = arith.constant 0 : i32
      %dma_wait3A_57 = tpu.memref_slice %arg5[%arg0, %dma_wait3A, %dma_wait3A_56] : memref<2x10240x64xf32, #tpu.memory_space<hbm>> -> memref<1x10240x64xf32, #tpu.memory_space<hbm>>
      %dma_wait3A_58 = tpu.memref_squeeze %dma_wait3A_57 : memref<1x10240x64xf32, #tpu.memory_space<hbm>> -> memref<10240x64xf32, #tpu.memory_space<hbm>>
      %dma_wait3A_59 = arith.constant 0 : i32
      %dma_wait3A_60 = tpu.memref_slice %dma_wait3A_58[%mul3A_47, %dma_wait3A_59] : memref<10240x64xf32, #tpu.memory_space<hbm>> -> memref<640x64xf32, #tpu.memory_space<hbm>>
      %dma_wait3A_61 = arith.constant 0 : i32
      %dma_wait3A_62 = tpu.memref_slice %arg11[%mul3A_45, %dma_wait3A_61] : memref<10240x64xf32, #tpu.memory_space<vmem_shared>> -> memref<640x64xf32, #tpu.memory_space<vmem_shared>>
      tpu.wait_dma2 semaphore(%run_scoped3A : memref<!tpu.dma_semaphore, #tpu.memory_space<semaphore_mem>>) src(%dma_wait3A_62 : memref<640x64xf32, #tpu.memory_space<vmem_shared>>) dst(%dma_wait3A_60 : memref<640x64xf32, #tpu.memory_space<hbm>>)
      tpu.yield
    }) : () -> ()
    return
  }
}

module attributes {stable_mosaic.version = 14 : i64} {
  func.func @_mm_body(%arg0: memref<10240x128xf32, #tpu.memory_space<vmem>>, %arg1: memref<128x128xf32, #tpu.memory_space<vmem>>, %arg2: memref<10240x128xf32, #tpu.memory_space<vmem>>) attributes {dimension_semantics = [], scalar_prefetch = 0 : i64, scratch_operands = 0 : i64, tpu.core_type = #tpu.core_type<tc>} {
    %get3A = arith.constant 0 : index
    %get3A_0 = arith.constant 0 : index
    %get3A_1 = vector.load %arg0[%get3A, %get3A_0] : memref<10240x128xf32, #tpu.memory_space<vmem>>, vector<10240x128xf32>
    %get3A_2 = arith.constant 0 : index
    %get3A_3 = arith.constant 0 : index
    %get3A_4 = vector.load %arg1[%get3A_2, %get3A_3] : memref<128x128xf32, #tpu.memory_space<vmem>>, vector<128x128xf32>
    %dot_general3A = arith.constant dense<0.000000e+00> : vector<10240x128xf32>
    %dot_general3A_5 = tpu.matmul %get3A_1, %get3A_4, %dot_general3A {dimension_numbers = #tpu.dot_dimension_numbers<[1], [0], [0], [1], [0, 0, 1, 1], [], []>, transpose_lhs_hint = false} : vector<10240x128xf32>, vector<128x128xf32>, vector<10240x128xf32> -> vector<10240x128xf32>
    %swap3A = arith.constant 0 : index
    %swap3A_6 = arith.constant 0 : index
    %swap3A_7 = vector.load %arg2[%swap3A, %swap3A_6] : memref<10240x128xf32, #tpu.memory_space<vmem>>, vector<10240x128xf32>
    tpu.vector_store %arg2[%swap3A, %swap3A_6], %dot_general3A_5 {strides = array<i32>} : memref<10240x128xf32, #tpu.memory_space<vmem>>, vector<10240x128xf32>,
    return
  }
}

module attributes {stable_mosaic.version = 14 : i64} {
  func.func @_dinv_body(%arg0: memref<32x10240xf32, #tpu.memory_space<vmem>>, %arg1: memref<1x10240xf32, #tpu.memory_space<vmem>>) attributes {dimension_semantics = [], scalar_prefetch = 0 : i64, scratch_operands = 0 : i64, tpu.core_type = #tpu.core_type<tc>} {
    %get3A = arith.constant 0 : index
    %get3A_0 = arith.constant 0 : index
    %get3A_1 = vector.load %arg0[%get3A, %get3A_0] : memref<32x10240xf32, #tpu.memory_space<vmem>>, vector<32x10240xf32>
    %reduce_sum3A = arith.constant dense<0.000000e+00> : vector<10240xf32>
    %reduce_sum3A_2 = vector.multi_reduction <add>, %get3A_1, %reduce_sum3A [0] : vector<32x10240xf32> to vector<10240xf32>
    %broadcast_in_dim3A = vector.shape_cast %reduce_sum3A_2 : vector<10240xf32> to vector<1x10240xf32>
    %add3A = arith.constant 1.000000e+00 : f32
    %add3A_3 = vector.broadcast %add3A : f32 to vector<1x10240xf32>
    %add3A_4 = arith.addf %broadcast_in_dim3A, %add3A_3 : vector<1x10240xf32>
    %rsqrt3A = math.rsqrt %add3A_4 : vector<1x10240xf32>
    %swap3A = arith.constant 0 : index
    %swap3A_5 = arith.constant 0 : index
    %swap3A_6 = vector.load %arg1[%swap3A, %swap3A_5] : memref<1x10240xf32, #tpu.memory_space<vmem>>, vector<1x10240xf32>
    tpu.vector_store %arg1[%swap3A, %swap3A_5], %rsqrt3A {strides = array<i32>} : memref<1x10240xf32, #tpu.memory_space<vmem>>, vector<1x10240xf32>,
    return
  }
}

module attributes {stable_mosaic.version = 14 : i64} {
  func.func @_scale_body(%arg0: memref<10240x128xf32, #tpu.memory_space<vmem>>, %arg1: memref<10240x1xf32, #tpu.memory_space<vmem>>, %arg2: memref<10240x128xf32, #tpu.memory_space<vmem>>) attributes {dimension_semantics = [], scalar_prefetch = 0 : i64, scratch_operands = 0 : i64, tpu.core_type = #tpu.core_type<tc>} {
    %get3A = arith.constant 0 : index
    %get3A_0 = arith.constant 0 : index
    %get3A_1 = vector.load %arg0[%get3A, %get3A_0] : memref<10240x128xf32, #tpu.memory_space<vmem>>, vector<10240x128xf32>
    %get3A_2 = arith.constant 0 : index
    %get3A_3 = arith.constant 0 : index
    %get3A_4 = vector.load %arg1[%get3A_2, %get3A_3] : memref<10240x1xf32, #tpu.memory_space<vmem>>, vector<10240x1xf32>
    %mul3A = vector.broadcast %get3A_4 : vector<10240x1xf32> to vector<10240x128xf32>
    %mul3A_5 = arith.mulf %get3A_1, %mul3A : vector<10240x128xf32>
    %swap3A = arith.constant 0 : index
    %swap3A_6 = arith.constant 0 : index
    %swap3A_7 = vector.load %arg2[%swap3A, %swap3A_6] : memref<10240x128xf32, #tpu.memory_space<vmem>>, vector<10240x128xf32>
    tpu.vector_store %arg2[%swap3A, %swap3A_6], %mul3A_5 {strides = array<i32>} : memref<10240x128xf32, #tpu.memory_space<vmem>>, vector<10240x128xf32>,
    return
  }
}

module attributes {stable_mosaic.version = 14 : i64} {
  func.func @_comb1_body(%arg0: memref<2x10240x128xf32, #tpu.memory_space<vmem>>, %arg1: memref<10240x128xf32, #tpu.memory_space<vmem>>, %arg2: memref<10240x1xf32, #tpu.memory_space<vmem>>, %arg3: memref<1x128xf32, #tpu.memory_space<vmem>>, %arg4: memref<128x64xf32, #tpu.memory_space<vmem>>, %arg5: memref<10240x64xf32, #tpu.memory_space<vmem>>) attributes {dimension_semantics = [], scalar_prefetch = 0 : i64, scratch_operands = 0 : i64, tpu.core_type = #tpu.core_type<tc>} {
    %get3A = arith.constant 0 : index
    %get3A_0 = arith.constant 0 : index
    %get3A_1 = arith.constant 0 : index
    %get3A_2 = vector.load %arg0[%get3A, %get3A_0, %get3A_1] : memref<2x10240x128xf32, #tpu.memory_space<vmem>>, vector<1x10240x128xf32>
    %get3A_3 = vector.shape_cast %get3A_2 : vector<1x10240x128xf32> to vector<10240x128xf32>
    %get3A_4 = arith.constant 1 : index
    %get3A_5 = arith.constant 0 : index
    %get3A_6 = arith.constant 0 : index
    %get3A_7 = vector.load %arg0[%get3A_4, %get3A_5, %get3A_6] : memref<2x10240x128xf32, #tpu.memory_space<vmem>>, vector<1x10240x128xf32>
    %get3A_8 = vector.shape_cast %get3A_7 : vector<1x10240x128xf32> to vector<10240x128xf32>
    %add3A = arith.addf %get3A_3, %get3A_8 : vector<10240x128xf32>
    %get3A_9 = arith.constant 0 : index
    %get3A_10 = arith.constant 0 : index
    %get3A_11 = vector.load %arg1[%get3A_9, %get3A_10] : memref<10240x128xf32, #tpu.memory_space<vmem>>, vector<10240x128xf32>
    %add3A_12 = arith.addf %add3A, %get3A_11 : vector<10240x128xf32>
    %get3A_13 = arith.constant 0 : index
    %get3A_14 = arith.constant 0 : index
    %get3A_15 = vector.load %arg2[%get3A_13, %get3A_14] : memref<10240x1xf32, #tpu.memory_space<vmem>>, vector<10240x1xf32>
    %mul3A = vector.broadcast %get3A_15 : vector<10240x1xf32> to vector<10240x128xf32>
    %mul3A_16 = arith.mulf %add3A_12, %mul3A : vector<10240x128xf32>
    %get3A_17 = arith.constant 0 : index
    %get3A_18 = arith.constant 0 : index
    %get3A_19 = vector.load %arg3[%get3A_17, %get3A_18] : memref<1x128xf32, #tpu.memory_space<vmem>>, vector<1x128xf32>
    %add3A_20 = vector.broadcast %get3A_19 : vector<1x128xf32> to vector<10240x128xf32>
    %add3A_21 = arith.addf %mul3A_16, %add3A_20 : vector<10240x128xf32>
    %max3A = arith.constant 0.000000e+00 : f32
    %max3A_22 = vector.broadcast %max3A : f32 to vector<10240x128xf32>
    %max3A_23 = arith.maximumf %add3A_21, %max3A_22 : vector<10240x128xf32>
    %get3A_24 = arith.constant 0 : index
    %get3A_25 = arith.constant 0 : index
    %get3A_26 = vector.load %arg4[%get3A_24, %get3A_25] : memref<128x64xf32, #tpu.memory_space<vmem>>, vector<128x64xf32>
    %dot_general3A = arith.constant dense<0.000000e+00> : vector<10240x64xf32>
    %dot_general3A_27 = tpu.matmul %max3A_23, %get3A_26, %dot_general3A {dimension_numbers = #tpu.dot_dimension_numbers<[1], [0], [0], [1], [0, 0, 1, 1], [], []>, transpose_lhs_hint = false} : vector<10240x128xf32>, vector<128x64xf32>, vector<10240x64xf32> -> vector<10240x64xf32>
    %iota3A = tpu.iota {dimensions = array<i32: 0>} : vector<10240x1xi32>
    %lt3A = arith.constant 10000 : i32
    %lt3A_28 = vector.broadcast %lt3A : i32 to vector<10240x1xi32>
    %lt3A_29 = arith.cmpi slt, %iota3A, %lt3A_28 : vector<10240x1xi32>
    %get3A_30 = arith.constant 0 : index
    %get3A_31 = arith.constant 0 : index
    %get3A_32 = vector.load %arg2[%get3A_30, %get3A_31] : memref<10240x1xf32, #tpu.memory_space<vmem>>, vector<10240x1xf32>
    %mul3A_33 = vector.broadcast %get3A_32 : vector<10240x1xf32> to vector<10240x64xf32>
    %mul3A_34 = arith.mulf %dot_general3A_27, %mul3A_33 : vector<10240x64xf32>
    %jit3A = arith.constant 0.000000e+00 : f32
    %broadcast_in_dim3A = vector.shape_cast %lt3A_29 : vector<10240x1xi1> to vector<10240x1xi1>
    %broadcast_in_dim3A_35 = vector.broadcast %broadcast_in_dim3A : vector<10240x1xi1> to vector<10240x64xi1>
    %broadcast_in_dim3A_36 = vector.broadcast %jit3A : f32 to vector<10240x64xf32>
    %select_n3A = arith.select %broadcast_in_dim3A_35, %mul3A_34, %broadcast_in_dim3A_36 : vector<10240x64xi1>, vector<10240x64xf32>
    %swap3A = arith.constant 0 : index
    %swap3A_37 = arith.constant 0 : index
    %swap3A_38 = vector.load %arg5[%swap3A, %swap3A_37] : memref<10240x64xf32, #tpu.memory_space<vmem>>, vector<10240x64xf32>
    tpu.vector_store %arg5[%swap3A, %swap3A_37], %select_n3A {strides = array<i32>} : memref<10240x64xf32, #tpu.memory_space<vmem>>, vector<10240x64xf32>,
    return
  }
}

module attributes {stable_mosaic.version = 14 : i64} {
  func.func @_comb2_body(%arg0: memref<2x10240x64xf32, #tpu.memory_space<vmem>>, %arg1: memref<10240x64xf32, #tpu.memory_space<vmem>>, %arg2: memref<10240x1xf32, #tpu.memory_space<vmem>>, %arg3: memref<1x64xf32, #tpu.memory_space<vmem>>, %arg4: memref<10240x64xf32, #tpu.memory_space<vmem>>) attributes {dimension_semantics = [], scalar_prefetch = 0 : i64, scratch_operands = 0 : i64, tpu.core_type = #tpu.core_type<tc>} {
    %get3A = arith.constant 0 : index
    %get3A_0 = arith.constant 0 : index
    %get3A_1 = arith.constant 0 : index
    %get3A_2 = vector.load %arg0[%get3A, %get3A_0, %get3A_1] : memref<2x10240x64xf32, #tpu.memory_space<vmem>>, vector<1x10240x64xf32>
    %get3A_3 = vector.shape_cast %get3A_2 : vector<1x10240x64xf32> to vector<10240x64xf32>
    %get3A_4 = arith.constant 1 : index
    %get3A_5 = arith.constant 0 : index
    %get3A_6 = arith.constant 0 : index
    %get3A_7 = vector.load %arg0[%get3A_4, %get3A_5, %get3A_6] : memref<2x10240x64xf32, #tpu.memory_space<vmem>>, vector<1x10240x64xf32>
    %get3A_8 = vector.shape_cast %get3A_7 : vector<1x10240x64xf32> to vector<10240x64xf32>
    %add3A = arith.addf %get3A_3, %get3A_8 : vector<10240x64xf32>
    %get3A_9 = arith.constant 0 : index
    %get3A_10 = arith.constant 0 : index
    %get3A_11 = vector.load %arg1[%get3A_9, %get3A_10] : memref<10240x64xf32, #tpu.memory_space<vmem>>, vector<10240x64xf32>
    %add3A_12 = arith.addf %add3A, %get3A_11 : vector<10240x64xf32>
    %get3A_13 = arith.constant 0 : index
    %get3A_14 = arith.constant 0 : index
    %get3A_15 = vector.load %arg2[%get3A_13, %get3A_14] : memref<10240x1xf32, #tpu.memory_space<vmem>>, vector<10240x1xf32>
    %mul3A = vector.broadcast %get3A_15 : vector<10240x1xf32> to vector<10240x64xf32>
    %mul3A_16 = arith.mulf %add3A_12, %mul3A : vector<10240x64xf32>
    %get3A_17 = arith.constant 0 : index
    %get3A_18 = arith.constant 0 : index
    %get3A_19 = vector.load %arg3[%get3A_17, %get3A_18] : memref<1x64xf32, #tpu.memory_space<vmem>>, vector<1x64xf32>
    %add3A_20 = vector.broadcast %get3A_19 : vector<1x64xf32> to vector<10240x64xf32>
    %add3A_21 = arith.addf %mul3A_16, %add3A_20 : vector<10240x64xf32>
    %swap3A = arith.constant 0 : index
    %swap3A_22 = arith.constant 0 : index
    %swap3A_23 = vector.load %arg4[%swap3A, %swap3A_22] : memref<10240x64xf32, #tpu.memory_space<vmem>>, vector<10240x64xf32>
    tpu.vector_store %arg4[%swap3A, %swap3A_22], %add3A_21 {strides = array<i32>} : memref<10240x64xf32, #tpu.memory_space<vmem>>, vector<10240x64xf32>,
    return
  }
}

</mosaic_0001>

<sc_bundles>
// kernel: _run.10.cloned.1.call-start
scs
__scs_entry_jumppad:
0x0: {  	(pc) =	sbr.rel $0x88, $3  }
0x1: {  	(tag) =	ssettag $0x0;
	lr =	simm.s32 $0x1  }
0x2: {  	[smem:$0x3F9B] =	sst lr;
	_ =	strace $0xD0000000  }
0x3: {  	_ = 	snop  }
0x4: {  	_ = 	snop  }
0x5: {  	_ = 	snop  }
0x6: {  	_ = 	snop  }
0x7: {  	_ = 	snop  }
__scs_overlays_trampoline_lowered:
0x8: {  	[smem:$0x3FAA] =	sst s0  }
0x9: {  	[smem:$0x3FAB] =	sst s1  }
0xa: {  	[smem:$0x3FAC] =	sst s2  }
0xb: {  	[smem:$0x3FAD] =	sst s3  }
0xc: {  	[smem:$0x3FAE] =	sst s4  }
0xd: {  	[smem:$0x3FAF] =	sst s5  }
0xe: {  	[smem:$0x3FB0] =	sst s6  }
0xf: {  	[smem:$0x3FB1] =	sst s7  }
0x10: {  	[smem:$0x3FB2] =	sst s8  }
0x11: {  	[smem:$0x3FB3] =	sst s9;
	s0 =	simm.s32 @!p0 $0x0  }
0x12: {  	s1 =	sld [smem:$0x3F99];
	s0 =	simm.s32 @p0 $0x1  }
0x13: {  	[smem:$0x3FB4] =	sst s0;
	s0 =	simm.s32 @!p1 $0x0  }
0x14: {  	s2 =	sld [smem:$0x3F98];
	s0 =	simm.s32 @p1 $0x1  }
0x15: {  	[smem:$0x3FB5] =	sst s0;
	s0 =	simm.s32 @!p2 $0x0  }
0x16: {  	s3 =	sld [smem:$0x3FDB];
	s0 =	simm.s32 @p2 $0x1  }
0x17: {  	s4 =	simm.s32 $0x1BF5;
	[smem:$0x3FB7] =	sst s0  }
0x18: {  	s0 =	sld [smem:$0x3F9A];
	_ =	swait.ge [sflag:s4], $0x0  }
0x19: {  	s7 =	sld [smem:$0x3F9B]  }
0x1a: {  	s8 =	sadd.s32 $0xFFFFE003, lr  }
0x1b: {  	s9 =	sadd.s32 $0xFFFFFEF7, lr;
	s5 =	simm.s32 $0xFFFFFFFF;
	p2 =	slt.u32 s8, $0xFFFFF086  }
0x1c: {  	p1 =	slt.u32 s9, $0xF7A;
	s5 =	simm.s32 @!p2 $0x0  }
0x1d: {  	s5 =	simm.s32 @p1 $0x1;
	p0 =	seq.s32 s7, s2  }
0x1e: {  	s7 =	smul.u32 @!p0 $0xF7A, s2;
	p2 =	seq.s32 @!p0 s5, $0x0  }
0x1f: {  	s9 =	smul.u32 $0xF7A, s1;
	s8 =	simm.s32 @!p0 $0x1BF5;
	p2 =	por !p2, p0  }
0x20: {  	[sflag:s8] =	ssyncset.s32 @!p0 $0xFFFFF086;
	s6 =	sadd.s32 @!p0 s3, s7;
	s7 =	simm.s32 @!p0 $0x108  }
0x21: {  	s3 =	sadd.s32 s3, s9;
	s6 =	sadd.s32 @!p0 $0x88, s6;
	s7 =	simm.s32 @p2 $0x1082  }
0x22: {  	[simem:s7], [sflag:s8] =	dma.local @!p0 [hbm:s6], $0xF7A  }
0x23: {  	s9 =	sor.u32 $0xD0000000, s2;
	s6 =	simm.s32 $0x108;
	_ =	swait.ge @!p0 [sflag:s8], $0x0  }
0x24: {  	s3 =	sadd.s32 $0x88, s3;
	s6 =	simm.s32 @!p1 $0x1082;
	[sflag:s4] =	ssyncset.s32 $0xFFFFF086  }
0x25: {  	[simem:s6], [sflag:s4] =	dma.local [hbm:s3], $0xF7A  }
0x26: {  	[smem:$0x3F9B] =	sst s1;
	(tag) =	ssettag s2;
	_ =	strace s9  }
0x27: {  	s1 =	sld [smem:$0x3FAB]  }
0x28: {  	s2 =	sld [smem:$0x3FAC]  }
0x29: {  	s4 =	sld [smem:$0x3FAE]  }
0x2a: {  	p0 =	seq.s32 s5, $0x0;
	s5 =	sld [smem:$0x3FAF]  }
0x2b: {  	s6 =	sld [smem:$0x3FB0]  }
0x2c: {  	s7 =	sld [smem:$0x3FB1]  }
0x2d: {  	s3 =	simm.s32 $0x108;
	s8 =	sld [smem:$0x3FB2]  }
0x2e: {  	s3 =	simm.s32 @!p0 $0x1082;
	s9 =	sld [smem:$0x3FB3]  }
0x2f: {  	lr =	sadd.s32 s0, s3;
	s0 =	sld [smem:$0x3FAA]  }
0x30: {  	s3 =	sld [smem:$0x3FAD]  }
0x31: {  	[smem:$0x3FB6] =	sst s10  }
0x32: {  	s10 =	sld [smem:$0x3FB4];
	_ =	sdelay $0x3  }
0x33: {  	p0 =	seq.s32 s10, $0x1;
	s10 =	sld [smem:$0x3FB6];
	_ =	sdelay $0x3  }
0x34: {  	[smem:$0x3FB6] =	sst s10  }
0x35: {  	s10 =	sld [smem:$0x3FB5];
	_ =	sdelay $0x3  }
0x36: {  	p1 =	seq.s32 s10, $0x1;
	s10 =	sld [smem:$0x3FB6];
	_ =	sdelay $0x3  }
0x37: {  	[smem:$0x3FB6] =	sst s10  }
0x38: {  	s10 =	sld [smem:$0x3FB7]  }
0x39: {  	_ = 	snop;
	(pc) =	sbr.ind lr, $3  }
0x3a: {  	_ = 	snop  }
0x3b: {  	_ = 	snop  }
0x3c: {  	p2 =	seq.s32 s10, $0x1;
	s10 =	sld [smem:$0x3FB6]  }
0x3d: {  	_ =	shalt  }
0x3e: {  	_ =	shalt  }
0x3f: {  	_ =	shalt  }
0x40: {  	_ =	shalt  }
0x41: {  	_ =	shalt  }
0x42: {  	_ =	shalt  }
0x43: {  	_ =	shalt  }
0x44: {  	_ =	shalt  }
0x45: {  	_ =	shalt  }
0x46: {  	_ =	shalt  }
0x47: {  	_ =	shalt  }
0x48: {  	_ =	shalt  }
0x49: {  	_ =	shalt  }
0x4a: {  	_ =	shalt  }
0x4b: {  	_ =	shalt  }
0x4c: {  	_ =	shalt  }
0x4d: {  	_ =	shalt  }
0x4e: {  	_ =	shalt  }
0x4f: {  	_ =	shalt  }
0x50: {  	_ =	shalt  }
0x51: {  	_ =	shalt  }
0x52: {  	_ =	shalt  }
0x53: {  	_ =	shalt  }
0x54: {  	_ =	shalt  }
0x55: {  	_ =	shalt  }
0x56: {  	_ =	shalt  }
0x57: {  	_ =	shalt  }
0x58: {  	_ =	shalt  }
0x59: {  	_ =	shalt  }
0x5a: {  	_ =	shalt  }
0x5b: {  	_ =	shalt  }
0x5c: {  	_ =	shalt  }
0x5d: {  	_ =	shalt  }
0x5e: {  	_ =	shalt  }
0x5f: {  	_ =	shalt  }
0x60: {  	_ =	shalt  }
0x61: {  	_ =	shalt  }
0x62: {  	_ =	shalt  }
0x63: {  	_ =	shalt  }
0x64: {  	_ =	shalt  }
0x65: {  	_ =	shalt  }
0x66: {  	_ =	shalt  }
0x67: {  	_ =	shalt  }
0x68: {  	_ =	shalt  }
0x69: {  	_ =	shalt  }
0x6a: {  	_ =	shalt  }
0x6b: {  	_ =	shalt  }
0x6c: {  	_ =	shalt  }
0x6d: {  	_ =	shalt  }
0x6e: {  	_ =	shalt  }
0x6f: {  	_ =	shalt  }
0x70: {  	_ =	shalt  }
0x71: {  	_ =	shalt  }
0x72: {  	_ =	shalt  }
0x73: {  	_ =	shalt  }
0x74: {  	_ =	shalt  }
0x75: {  	_ =	shalt  }
0x76: {  	_ =	shalt  }
0x77: {  	_ =	shalt  }
0x78: {  	_ =	shalt  }
0x79: {  	_ =	shalt  }
0x7a: {  	_ =	shalt  }
0x7b: {  	_ =	shalt  }
0x7c: {  	_ =	shalt  }
0x7d: {  	_ =	shalt  }
0x7e: {  	_ =	shalt  }
0x7f: {  	_ =	shalt  }
0x80: {  	_ =	shalt  }
0x81: {  	_ =	shalt  }
0x82: {  	_ =	shalt  }
0x83: {  	_ =	shalt  }
0x84: {  	_ =	shalt  }
0x85: {  	_ =	shalt  }
0x86: {  	_ =	shalt  }
0x87: {  	_ =	shalt  }
.Lfunc_end0:
.L_simem_size_0:
called_computation_lowered:
.L_overlay_start_0:
0x88: {  	s2 =	sld [smem:$0x3FD9]  }
0x89: {  	s3 =	sld [smem:$0x3FFE];
	_ =	sdelay $0x1  }
0x8a: {  	s1 =	srdreg.scid  }
0x8b: {  	s0 =	sand.u32 $0x1, s1  }
0x8c: {  	s17 =	sshll.u32 s0, $0xA;
	s2 =	sadd.s32 s3, s2  }
0x8d: {  	s2 =	sadd.s32 s2, s17  }
0x8e: {  	[smem:$0x3FC2] =	sst s2  }
0x8f: {  	_ = 	snop  }
0x90: {  	s2 =	sld [smem:$0x3FD0];
	(tm) =	ssettm $0x1  }
0x91: {  	s18 =	sld [smem:$0x3FFB];
	_ =	sdelay $0x3  }
0x92: {  	_ =	strace s18  }
0x93: {  	s3 =	sld [smem:$0x3FFC];
	_ =	sdelay $0x3  }
0x94: {  	_ =	strace s3  }
0x95: {  	s3 =	sld [smem:$0x3FFD];
	_ =	sdelay $0x3  }
0x96: {  	_ =	strace s3  }
0x97: {  	_ =	strace $0x8FFFFFFF  }
0x98: {  	s19 =	sld [smem:$0x3FDB];
	_ =	sdelay $0x1  }
0x99: {  	s4 =	simm.s32 $_scs_section_size  }
0x9a: {  	s5 =	simm.s32 $_size__tile_overlayer_lowered;
	s6 =	simm.s32 $_tile_overlayer_lowered  }
0x9b: {  	s22 =	simm.s32 $0x1BFF;
	s21 =	sshll.u32 s6, $0x1;
	s3 =	sadd.s32 s4, s19  }
0x9c: {  	s7 =	simm.s32 $0x0;
	s20 =	sshll.u32 s5, $0x1;
	s5 =	sadd.s32 s21, s3  }
0x9d: {  	[timem:s7], [sflag:s22] =	dma.local [hbm:s5], s20  }
0x9e: {  	_ =	swait.ge [sflag:s22], s20  }
0x9f: {  	s4 =	ssub.s32 $0x0, s20;
	[sflag:s22] =	ssyncset.done $0x0  }
0xa0: {  	[sflag:s22] =	ssyncadd.s32 s4;
	_ =	sdelay $0x1  }
0xa1: {  	s23 =	simm.s32 $0x1B8B  }
0xa2: {  	_ =	swait.ge [sflag:s23], $0x1  }
0xa3: {  	[sflag:s23] =	ssyncset.done $0x0  }
0xa4: {  	s25 =	simm.s32 $0x1B8E;
	s24 =	sld [smem:$0x3FFE];
	[sflag:s23] =	ssyncadd.s32 $0xFFFFFFFF  }
0xa5: {  	s26 =	simm.s32 $execute0_lowered;
	[smem:$0x3FD2] =	sst s25  }
0xa6: {  	s5 =	sshll.u32 s26, $0x1;
	_ =	strace $0x80000046;
	[dreg:$0x1] =	wrdreg $0xFFFFFFFF  }
0xa7: {  	s28 =	simm.s32 $_size_execute0_lowered;
	s3 =	sadd.s32 s3, s5;
	[dreg:$0x0] =	wrdreg $0x0  }
0xa8: {  	s5 =	sshll.u32 s28, $0x1;
	[dreg:$0x2] =	wrdreg s3  }
0xa9: {  	[dreg:$0x3] =	wrdreg s5  }
0xaa: {  	[dreg:$0x4] =	wrdreg $0xC0  }
0xab: {  	_ =	task [dreg:s7], $0x5FFFF  }
0xac: {  	[dreg:$0x1] =	wrdreg $0xFFFFFFFF  }
0xad: {  	[dreg:$0x0] =	wrdreg $0x60  }
0xae: {  	[dreg:$0x2] =	wrdreg s2  }
0xaf: {  	[dreg:$0x3] =	wrdreg s24  }
0xb0: {  	[dreg:$0x4] =	wrdreg $0x9  }
0xb1: {  	_ =	task.clear_ibuf [dreg:s7], $0x5FFFF;
	_ =	strace $0x90000046  }
0xb2: {  	s29 =	simm.s32 $0x9;
	_ =	strace $0x80000048  }
0xb3: {  	_ =	swait.ge [sflag:s29], $0x1  }
0xb4: {  	[sflag:s29] =	ssyncadd.s32 $0xFFFFFFFF  }
0xb5: {  	_ =	strace $0x90000048  }
0xb6: {  	_ =	sfence  }
0xb7: {  	s30 =	sld [smem:$0x0];
	_ =	sdelay $0x2  }
0xb8: {  	s31 =	sshll.u32 s1, $0xD;
	s1 =	sshrl.u32 s1, $0x2  }
0xb9: {  	s3 =	sand.u32 $0x4000, s31;
	s1 =	sadd.s32 s1, s30  }
0xba: {  	s0 =	sor.u32 s3, s0;
	s1 =	sshll.u32 s1, $0x11  }
0xbb: {  	s0 =	sor.u32 s1, s0  }
0xbc: {  	s0 =	sadd.s32 $0x8F2B, s0  }
0xbd: {  	[sflag:s0] =	ssyncadd.remote.s32 $0x1  }
0xbe: {  	_ =	sfence.sel $0xFFFF  }
0xbf: {  	[dreg:$0x0] =	wrdreg $0xFFFFFFFF;
	(pc) =	sbr.abs _section_cstart, $3  }
0xc0: {  	[dreg:$0x1] =	wrdreg $0xFFFFFFFF  }
0xc1: {  	_ =	task.clear_ibuf [dreg:s7], $0x2FFFF;
	_ =	strace $0x9FFFFFFF  }
0xc2: {  	(tm) =	ssettm $0x7FFFFFFF  }
0xc3: {  	_ =	shalt  }
tec
execute0_lowered:
.L_overlay_start_1:
0x0: {  	(tag) =	ssettag $0x1  }
0x1: {  	s0 =	srdreg.scid  }
0x2: {  	s3 =	sand.u32 $0x1, s0  }
0x3: {  	s0 =	stileid.u32;
	s1 =	sshll.u32 s3, $0x4  }
0x4: {  	s5 =	rddreg [dreg:$0x0];
	s4 =	sor.u32 s0, s1  }
0x5: {  	s6 =	rddreg [dreg:$0x1];
	s2 =	simm.s32 $0x0;
	s1 =	sshrl.u32 s4, $0x3  }
0x6: {  	s9 =	simm.s32 $0x400;
	s8 =	sshll.u32 s0, $0x7;
	s7 =	smul.u32 $0x14000, s1  }
0x7: {  	s10 =	simm.s32 $0x0;
	s3 =	ssub.s32 $0x2, s3;
	s8 =	sand.u32 $0x380, s8  }
0x8: {  	[smem:$0x7FF] =	sst s2;
	s31 =	sshrl.u32 s3, $0x1;
	s7 =	sor.u32 s8, s7  }
0x9: {  	s4 =	smul.u32 $0x500, s4;
	s1 =	rddreg [dreg:$0x2];
	s7 =	sshrl.u32 s7, $0x3  }
0xa: {  	_ =	strace $0x80000047;
	s8 =	simm.s32 $0x80;
	s6 =	sadd.s32 s7, s6  }
0xb: {  	s7 =	ssub.s32 s3, s31;
	s3 =	sadd.s32 s5, s4;
	s4 =	sadd.s32 $0x2000, s6  }
0xc: {  	v0 =	vimm.f32 $0.0e+00;
	v1 =	vimm.f32 $1.000000000e+00;
	s5 =	smax.u32 s7, $0x1;
	s6 =	simm.s32 $0x1;
	s7 =	simm.s32 $0x2800  }
.LBB2_1:
0xd: {  	s11 =	simm.s32 $0x40;
	s12 =	simm.s32 $0x0  }
.LBB2_2:
0xe: {  	p0 =	sne.s32 s11, $0x9FC0;
	[tilespmem:s12+$0x2800] =	vst v0;
	s12 =	smov.u32 s11;
	s11 =	sadd.s32 $0x40, s11  }
.Ltmp0:
0xf: {  	(pc) =	sbr.rel @p0 .LBB2_2-.Ltmp0, $2  }
0x10: {  	_ =	sdelay $0x2  }
0x11: {  	s12 =	sshra.s32 s12, $0x2  }
0x12: {  	[tilespmem:s12+$0x2800] =	vst v0  }
0x13: {  	[tilespmem:s2], [sflag:$0x1] =	stream.linear.gather [hbm4b:s3+s2], $0x2800, $0x38;
	[tilespmem:$0x5000] =	vst v63  }
0x14: {  	_ =	swait.ge [sflag:s6], $0x2800  }
0x15: {  	[sflag:s6] =	ssyncset.done $0x0  }
0x16: {  	s11 =	simm.s32 $0x1C0;
	[sflag:s6] =	ssyncadd.s32 $0xFFFFD800  }
.LBB2_4:
0x17: {  	s12 =	sshra.s32 s11, $0x2  }
0x18: {  	v2 =	vld [tilespmem:s12+$0xFFFFFF90];
	_ =	sdelay $0x7  }
0x19: {  	[tilespmem:v2+s7+$0x0] =	vst.idx.add.f32.msk $0xffff, v1  }
0x1a: {  	v2 =	vld [tilespmem:s12+$0xFFFFFFA0];
	_ =	sdelay $0x7  }
0x1b: {  	[tilespmem:v2+s7+$0x0] =	vst.idx.add.f32.msk $0xffff, v1  }
0x1c: {  	v2 =	vld [tilespmem:s12+$0xFFFFFFB0];
	_ =	sdelay $0x7  }
0x1d: {  	[tilespmem:v2+s7+$0x0] =	vst.idx.add.f32.msk $0xffff, v1  }
0x1e: {  	v2 =	vld [tilespmem:s12+$0xFFFFFFC0];
	_ =	sdelay $0x7  }
0x1f: {  	[tilespmem:v2+s7+$0x0] =	vst.idx.add.f32.msk $0xffff, v1  }
0x20: {  	v2 =	vld [tilespmem:s12+$0xFFFFFFD0];
	_ =	sdelay $0x7  }
0x21: {  	[tilespmem:v2+s7+$0x0] =	vst.idx.add.f32.msk $0xffff, v1  }
0x22: {  	v2 =	vld [tilespmem:s12+$0xFFFFFFE0];
	_ =	sdelay $0x7  }
0x23: {  	[tilespmem:v2+s7+$0x0] =	vst.idx.add.f32.msk $0xffff, v1  }
0x24: {  	v2 =	vld [tilespmem:s12+$0xFFFFFFF0];
	_ =	sdelay $0x7  }
0x25: {  	[tilespmem:v2+s7+$0x0] =	vst.idx.add.f32.msk $0xffff, v1  }
0x26: {  	v2 =	vld [tilespmem:s12+$0x0];
	_ =	sdelay $0x2  }
0x27: {  	p0 =	sne.s32 s11, $0x9FC0  }
.Ltmp1:
0x28: {  	_ = 	snop;
	(pc) =	sbr.rel @p0 .LBB2_4-.Ltmp1, $2  }
0x29: {  	_ =	sdelay $0x2  }
0x2a: {  	s11 =	sadd.s32 $0x200, s11;
	[tilespmem:v2+s7+$0x0] =	vst.idx.add.f32.msk $0xffff, v1  }
0x2b: {  	s10 =	sadd.s32 $0x1, s10  }
0x2c: {  	p0 =	sne.s32 s10, s5  }
.Ltmp2:
0x2d: {  	_ = 	snop;
	(pc) =	sbr.rel @p0 .LBB2_1-.Ltmp2, $4  }
0x2e: {  	[hbm4b:s4+s8] =	stream.strided.scatter [tilespmem:s7], [sflag:$0x1], $0x2800, s9, s8, $0x38;
	[tilespmem:$0x5000] =	vst v63  }
0x2f: {  	_ =	swait.ge [sflag:s6], $0x2800  }
0x30: {  	[sflag:s6] =	ssyncset.done $0x0  }
0x31: {  	[sflag:s6] =	ssyncadd.s32 $0xFFFFD800  }
0x32: {  	_ =	sfence.sel $0x180000  }
0x33: {  	[bflag:$0x0] =	sbarrier.arrive $0xFFFF  }
0x34: {  	p0 =	sne.s32 s0, $0x0;
	_ =	strace $0x90000047  }
0x35: {  	s0 =	sadd.s32 @!p0 $0x100000, s1;
	[bflag:$0x2] =	sbarrier.arrive $0xFFFF  }
0x36: {  	[sflag:s0] =	ssyncadd.tile.s32 @!p0 $0x1;
	_ =	shalt  }
.Lfunc_end2:
_tile_overlayer_lowered:
.L_overlay_start_2:
0x37: {  	(tag) =	ssettag $0x2  }
0x38: {  	s0 =	rddreg [dreg:$0x0];
	s2 =	stileid.u32  }
0x39: {  	s1 =	rddreg [dreg:$0x1];
	p0 =	sne.s32 s2, $0x0  }
0x3a: {  	s3 =	rddreg [dreg:$0x2];
	[bflag:$0x3] =	sbarrier.arrive $0xFFFF;
	s2 =	simm.s32 @!p0 $0x1C01  }
0x3b: {  	[timem:s3], [sflag:s2] =	dma.local @!p0 [hbm:s0], s1  }
0x3c: {  	s0 =	simm.s32 @!p0 $0x1  }
0x3d: {  	_ =	swait.ge @!p0 [sflag:s0], s1  }
0x3e: {  	s1 =	ssub.s32 @!p0 $0x0, s1;
	[sflag:s0] =	ssyncset.done @!p0 $0x0  }
0x3f: {  	[sflag:s0] =	ssyncadd.s32 @!p0 s1  }
0x40: {  	[bflag:$0x3] =	sbarrier.arrive $0xFFFF  }
0x41: {  	_ =	shalt  }

// kernel: _run.13.cloned.1.call-start
scs
__scs_entry_jumppad:
0x0: {  	(pc) =	sbr.rel $0x88, $3  }
0x1: {  	(tag) =	ssettag $0x0;
	lr =	simm.s32 $0x1  }
0x2: {  	[smem:$0x3F9B] =	sst lr;
	_ =	strace $0xD0000000  }
0x3: {  	_ = 	snop  }
0x4: {  	_ = 	snop  }
0x5: {  	_ = 	snop  }
0x6: {  	_ = 	snop  }
0x7: {  	_ = 	snop  }
__scs_overlays_trampoline_lowered:
0x8: {  	[smem:$0x3FAA] =	sst s0  }
0x9: {  	[smem:$0x3FAB] =	sst s1  }
0xa: {  	[smem:$0x3FAC] =	sst s2  }
0xb: {  	[smem:$0x3FAD] =	sst s3  }
0xc: {  	[smem:$0x3FAE] =	sst s4  }
0xd: {  	[smem:$0x3FAF] =	sst s5  }
0xe: {  	[smem:$0x3FB0] =	sst s6  }
0xf: {  	[smem:$0x3FB1] =	sst s7  }
0x10: {  	[smem:$0x3FB2] =	sst s8  }
0x11: {  	[smem:$0x3FB3] =	sst s9;
	s0 =	simm.s32 @!p0 $0x0  }
0x12: {  	s1 =	sld [smem:$0x3F99];
	s0 =	simm.s32 @p0 $0x1  }
0x13: {  	[smem:$0x3FB4] =	sst s0;
	s0 =	simm.s32 @!p1 $0x0  }
0x14: {  	s2 =	sld [smem:$0x3F98];
	s0 =	simm.s32 @p1 $0x1  }
0x15: {  	[smem:$0x3FB5] =	sst s0;
	s0 =	simm.s32 @!p2 $0x0  }
0x16: {  	s3 =	sld [smem:$0x3FDB];
	s0 =	simm.s32 @p2 $0x1  }
0x17: {  	s4 =	simm.s32 $0x1BF5;
	[smem:$0x3FB7] =	sst s0  }
0x18: {  	s0 =	sld [smem:$0x3F9A];
	_ =	swait.ge [sflag:s4], $0x0  }
0x19: {  	s7 =	sld [smem:$0x3F9B]  }
0x1a: {  	s8 =	sadd.s32 $0xFFFFE003, lr  }
0x1b: {  	s9 =	sadd.s32 $0xFFFFFEF7, lr;
	s5 =	simm.s32 $0xFFFFFFFF;
	p2 =	slt.u32 s8, $0xFFFFF086  }
0x1c: {  	p1 =	slt.u32 s9, $0xF7A;
	s5 =	simm.s32 @!p2 $0x0  }
0x1d: {  	s5 =	simm.s32 @p1 $0x1;
	p0 =	seq.s32 s7, s2  }
0x1e: {  	s7 =	smul.u32 @!p0 $0xF7A, s2;
	p2 =	seq.s32 @!p0 s5, $0x0  }
0x1f: {  	s9 =	smul.u32 $0xF7A, s1;
	s8 =	simm.s32 @!p0 $0x1BF5;
	p2 =	por !p2, p0  }
0x20: {  	[sflag:s8] =	ssyncset.s32 @!p0 $0xFFFFF086;
	s6 =	sadd.s32 @!p0 s3, s7;
	s7 =	simm.s32 @!p0 $0x108  }
0x21: {  	s3 =	sadd.s32 s3, s9;
	s6 =	sadd.s32 @!p0 $0x88, s6;
	s7 =	simm.s32 @p2 $0x1082  }
0x22: {  	[simem:s7], [sflag:s8] =	dma.local @!p0 [hbm:s6], $0xF7A  }
0x23: {  	s9 =	sor.u32 $0xD0000000, s2;
	s6 =	simm.s32 $0x108;
	_ =	swait.ge @!p0 [sflag:s8], $0x0  }
0x24: {  	s3 =	sadd.s32 $0x88, s3;
	s6 =	simm.s32 @!p1 $0x1082;
	[sflag:s4] =	ssyncset.s32 $0xFFFFF086  }
0x25: {  	[simem:s6], [sflag:s4] =	dma.local [hbm:s3], $0xF7A  }
0x26: {  	[smem:$0x3F9B] =	sst s1;
	(tag) =	ssettag s2;
	_ =	strace s9  }
0x27: {  	s1 =	sld [smem:$0x3FAB]  }
0x28: {  	s2 =	sld [smem:$0x3FAC]  }
0x29: {  	s4 =	sld [smem:$0x3FAE]  }
0x2a: {  	p0 =	seq.s32 s5, $0x0;
	s5 =	sld [smem:$0x3FAF]  }
0x2b: {  	s6 =	sld [smem:$0x3FB0]  }
0x2c: {  	s7 =	sld [smem:$0x3FB1]  }
0x2d: {  	s3 =	simm.s32 $0x108;
	s8 =	sld [smem:$0x3FB2]  }
0x2e: {  	s3 =	simm.s32 @!p0 $0x1082;
	s9 =	sld [smem:$0x3FB3]  }
0x2f: {  	lr =	sadd.s32 s0, s3;
	s0 =	sld [smem:$0x3FAA]  }
0x30: {  	s3 =	sld [smem:$0x3FAD]  }
0x31: {  	[smem:$0x3FB6] =	sst s10  }
0x32: {  	s10 =	sld [smem:$0x3FB4];
	_ =	sdelay $0x3  }
0x33: {  	p0 =	seq.s32 s10, $0x1;
	s10 =	sld [smem:$0x3FB6];
	_ =	sdelay $0x3  }
0x34: {  	[smem:$0x3FB6] =	sst s10  }
0x35: {  	s10 =	sld [smem:$0x3FB5];
	_ =	sdelay $0x3  }
0x36: {  	p1 =	seq.s32 s10, $0x1;
	s10 =	sld [smem:$0x3FB6];
	_ =	sdelay $0x3  }
0x37: {  	[smem:$0x3FB6] =	sst s10  }
0x38: {  	s10 =	sld [smem:$0x3FB7]  }
0x39: {  	_ = 	snop;
	(pc) =	sbr.ind lr, $3  }
0x3a: {  	_ = 	snop  }
0x3b: {  	_ = 	snop  }
0x3c: {  	p2 =	seq.s32 s10, $0x1;
	s10 =	sld [smem:$0x3FB6]  }
0x3d: {  	_ =	shalt  }
0x3e: {  	_ =	shalt  }
0x3f: {  	_ =	shalt  }
0x40: {  	_ =	shalt  }
0x41: {  	_ =	shalt  }
0x42: {  	_ =	shalt  }
0x43: {  	_ =	shalt  }
0x44: {  	_ =	shalt  }
0x45: {  	_ =	shalt  }
0x46: {  	_ =	shalt  }
0x47: {  	_ =	shalt  }
0x48: {  	_ =	shalt  }
0x49: {  	_ =	shalt  }
0x4a: {  	_ =	shalt  }
0x4b: {  	_ =	shalt  }
0x4c: {  	_ =	shalt  }
0x4d: {  	_ =	shalt  }
0x4e: {  	_ =	shalt  }
0x4f: {  	_ =	shalt  }
0x50: {  	_ =	shalt  }
0x51: {  	_ =	shalt  }
0x52: {  	_ =	shalt  }
0x53: {  	_ =	shalt  }
0x54: {  	_ =	shalt  }
0x55: {  	_ =	shalt  }
0x56: {  	_ =	shalt  }
0x57: {  	_ =	shalt  }
0x58: {  	_ =	shalt  }
0x59: {  	_ =	shalt  }
0x5a: {  	_ =	shalt  }
0x5b: {  	_ =	shalt  }
0x5c: {  	_ =	shalt  }
0x5d: {  	_ =	shalt  }
0x5e: {  	_ =	shalt  }
0x5f: {  	_ =	shalt  }
0x60: {  	_ =	shalt  }
0x61: {  	_ =	shalt  }
0x62: {  	_ =	shalt  }
0x63: {  	_ =	shalt  }
0x64: {  	_ =	shalt  }
0x65: {  	_ =	shalt  }
0x66: {  	_ =	shalt  }
0x67: {  	_ =	shalt  }
0x68: {  	_ =	shalt  }
0x69: {  	_ =	shalt  }
0x6a: {  	_ =	shalt  }
0x6b: {  	_ =	shalt  }
0x6c: {  	_ =	shalt  }
0x6d: {  	_ =	shalt  }
0x6e: {  	_ =	shalt  }
0x6f: {  	_ =	shalt  }
0x70: {  	_ =	shalt  }
0x71: {  	_ =	shalt  }
0x72: {  	_ =	shalt  }
0x73: {  	_ =	shalt  }
0x74: {  	_ =	shalt  }
0x75: {  	_ =	shalt  }
0x76: {  	_ =	shalt  }
0x77: {  	_ =	shalt  }
0x78: {  	_ =	shalt  }
0x79: {  	_ =	shalt  }
0x7a: {  	_ =	shalt  }
0x7b: {  	_ =	shalt  }
0x7c: {  	_ =	shalt  }
0x7d: {  	_ =	shalt  }
0x7e: {  	_ =	shalt  }
0x7f: {  	_ =	shalt  }
0x80: {  	_ =	shalt  }
0x81: {  	_ =	shalt  }
0x82: {  	_ =	shalt  }
0x83: {  	_ =	shalt  }
0x84: {  	_ =	shalt  }
0x85: {  	_ =	shalt  }
0x86: {  	_ =	shalt  }
0x87: {  	_ =	shalt  }
.Lfunc_end0:
.L_simem_size_0:
called_computation.1_lowered:
.L_overlay_start_0:
0x88: {  	s2 =	sld [smem:$0x3FD9]  }
0x89: {  	s3 =	sld [smem:$0x3FFE];
	_ =	sdelay $0x1  }
0x8a: {  	s1 =	srdreg.scid  }
0x8b: {  	s0 =	sand.u32 $0x1, s1  }
0x8c: {  	s17 =	sshll.u32 s0, $0xA;
	s2 =	sadd.s32 s3, s2  }
0x8d: {  	s2 =	sadd.s32 s2, s17  }
0x8e: {  	[smem:$0x3FC2] =	sst s2  }
0x8f: {  	_ = 	snop  }
0x90: {  	s2 =	sld [smem:$0x3FD0];
	(tm) =	ssettm $0x1  }
0x91: {  	s18 =	sld [smem:$0x3FFB];
	_ =	sdelay $0x3  }
0x92: {  	_ =	strace s18  }
0x93: {  	s3 =	sld [smem:$0x3FFC];
	_ =	sdelay $0x3  }
0x94: {  	_ =	strace s3  }
0x95: {  	s3 =	sld [smem:$0x3FFD];
	_ =	sdelay $0x3  }
0x96: {  	_ =	strace s3  }
0x97: {  	_ =	strace $0x8FFFFFFF  }
0x98: {  	s19 =	sld [smem:$0x3FDB];
	_ =	sdelay $0x1  }
0x99: {  	s4 =	simm.s32 $_scs_section_size  }
0x9a: {  	s5 =	simm.s32 $_size__tile_overlayer_lowered;
	s6 =	simm.s32 $_tile_overlayer_lowered  }
0x9b: {  	s22 =	simm.s32 $0x1BFF;
	s21 =	sshll.u32 s6, $0x1;
	s3 =	sadd.s32 s4, s19  }
0x9c: {  	s7 =	simm.s32 $0x0;
	s20 =	sshll.u32 s5, $0x1;
	s5 =	sadd.s32 s21, s3  }
0x9d: {  	[timem:s7], [sflag:s22] =	dma.local [hbm:s5], s20  }
0x9e: {  	_ =	swait.ge [sflag:s22], s20  }
0x9f: {  	s4 =	ssub.s32 $0x0, s20;
	[sflag:s22] =	ssyncset.done $0x0  }
0xa0: {  	[sflag:s22] =	ssyncadd.s32 s4;
	_ =	sdelay $0x1  }
0xa1: {  	s23 =	simm.s32 $0x1B8B  }
0xa2: {  	_ =	swait.ge [sflag:s23], $0x1  }
0xa3: {  	[sflag:s23] =	ssyncset.done $0x0  }
0xa4: {  	s25 =	simm.s32 $0x1B8E;
	s24 =	sld [smem:$0x3FFE];
	[sflag:s23] =	ssyncadd.s32 $0xFFFFFFFF  }
0xa5: {  	s26 =	simm.s32 $execute0_lowered;
	[smem:$0x3FD2] =	sst s25  }
0xa6: {  	s5 =	sshll.u32 s26, $0x1;
	_ =	strace $0x80000049;
	[dreg:$0x1] =	wrdreg $0xFFFFFFFF  }
0xa7: {  	s28 =	simm.s32 $_size_execute0_lowered;
	s3 =	sadd.s32 s3, s5;
	[dreg:$0x0] =	wrdreg $0x0  }
0xa8: {  	s5 =	sshll.u32 s28, $0x1;
	[dreg:$0x2] =	wrdreg s3  }
0xa9: {  	[dreg:$0x3] =	wrdreg s5  }
0xaa: {  	[dreg:$0x4] =	wrdreg $0xC0  }
0xab: {  	_ =	task [dreg:s7], $0x5FFFF  }
0xac: {  	[dreg:$0x1] =	wrdreg $0xFFFFFFFF  }
0xad: {  	[dreg:$0x0] =	wrdreg $0x60  }
0xae: {  	[dreg:$0x2] =	wrdreg s24  }
0xaf: {  	[dreg:$0x3] =	wrdreg s2  }
0xb0: {  	[dreg:$0x4] =	wrdreg $0xA9000  }
0xb1: {  	[dreg:$0x5] =	wrdreg $0x9  }
0xb2: {  	_ =	task.clear_ibuf [dreg:s7], $0x6FFFF;
	_ =	strace $0x90000049  }
0xb3: {  	s29 =	simm.s32 $0x9;
	_ =	strace $0x8000004B  }
0xb4: {  	_ =	swait.ge [sflag:s29], $0x1  }
0xb5: {  	[sflag:s29] =	ssyncadd.s32 $0xFFFFFFFF  }
0xb6: {  	_ =	strace $0x9000004B  }
0xb7: {  	_ =	sfence  }
0xb8: {  	s30 =	sld [smem:$0x0];
	_ =	sdelay $0x2  }
0xb9: {  	s31 =	sshll.u32 s1, $0xD;
	s1 =	sshrl.u32 s1, $0x2  }
0xba: {  	s3 =	sand.u32 $0x4000, s31;
	s1 =	sadd.s32 s1, s30  }
0xbb: {  	s0 =	sor.u32 s3, s0;
	s1 =	sshll.u32 s1, $0x11  }
0xbc: {  	s0 =	sor.u32 s1, s0  }
0xbd: {  	s0 =	sadd.s32 $0x8F2B, s0  }
0xbe: {  	[sflag:s0] =	ssyncadd.remote.s32 $0x1  }
0xbf: {  	_ =	sfence.sel $0xFFFF  }
0xc0: {  	[dreg:$0x0] =	wrdreg $0xFFFFFFFF;
	(pc) =	sbr.abs _section_cstart, $3  }
0xc1: {  	[dreg:$0x1] =	wrdreg $0xFFFFFFFF  }
0xc2: {  	_ =	task.clear_ibuf [dreg:s7], $0x2FFFF;
	_ =	strace $0x9FFFFFFF  }
0xc3: {  	(tm) =	ssettm $0x7FFFFFFF  }
tec
execute0_lowered:
.L_overlay_start_1:
0x0: {  	(tag) =	ssettag $0x1  }
0x1: {  	s5 =	rddreg [dreg:$0x0]  }
0x2: {  	s0 =	srdreg.scid;
	s7 =	rddreg [dreg:$0x1]  }
0x3: {  	s29 =	stileid.u32;
	s2 =	rddreg [dreg:$0x2]  }
0x4: {  	s3 =	simm.s32 $0x0;
	s14 =	simm.s32 $0x5;
	s15 =	simm.s32 $0x2800  }
0x5: {  	s17 =	simm.s32 $0x80;
	s18 =	simm.s32 $0x6900;
	s19 =	simm.s32 $0x2880  }
0x6: {  	s20 =	simm.s32 $0x1;
	s21 =	simm.s32 $0x3;
	s22 =	simm.s32 $0x2  }
0x7: {  	s23 =	simm.s32 $0x4;
	s26 =	simm.s32 $0x0;
	s10 =	smul.u32 $0x50000, s29  }
0x8: {  	s4 =	sand.u32 $0x1, s0;
	[smem:$0x7FF] =	sst s3;
	s25 =	smul.u32 $0x2800, s29  }
0x9: {  	s1 =	sshll.u32 s4, $0x4;
	s30 =	smul.u32 $0x28000, s4;
	_ =	strace $0x8000004A  }
0xa: {  	s9 =	ssub.s32 $0x2, s4;
	s4 =	sadd.s32 $0x16000, s5;
	s6 =	sor.u32 s29, s1  }
0xb: {  	s12 =	sshrl.u32 s9, $0x1;
	s8 =	smul.u32 $0x500, s6;
	s13 =	sadd.s32 s30, s5  }
0xc: {  	s31 =	sshrl.u32 s10, $0x2;
	s9 =	ssub.s32 s9, s12;
	s24 =	sadd.s32 $0x3E000, s13  }
0xd: {  	s13 =	simm.s32 $0x2900;
	s11 =	sadd.s32 s8, s5;
	s5 =	sadd.s32 s31, s2  }
0xe: {  	s7 =	sadd.s32 s7, s8;
	s8 =	smax.u32 s9, $0x1;
	s24 =	sadd.s32 s25, s24  }
0xf: {  	s6 =	sadd.s32 $0xC000, s11;
	s9 =	sadd.s32 $0x4000, s5;
	s10 =	sadd.s32 $0x8000, s5  }
0x10: {  	v0 =	vimm.f32 $0.0e+00;
	s11 =	sadd.s32 $0xC000, s5;
	s12 =	sadd.s32 $0x10000, s5;
	s16 =	sadd.s32 $0x20, s7  }
.LBB2_1:
0x11: {  	s28 =	simm.s32 $0x0;
	s29 =	simm.s32 $0x200  }
.LBB2_2:
0x12: {  	p0 =	sne.s32 s29, $0xFE00;
	[tilespmem:s28+$0x2970] =	vst v0  }
0x13: {  	[tilespmem:s28+$0x2900] =	vst v0  }
0x14: {  	[tilespmem:s28+$0x2910] =	vst v0  }
.Ltmp0:
0x15: {  	[tilespmem:s28+$0x2920] =	vst v0;
	(pc) =	sbr.rel @p0 .LBB2_2-.Ltmp0, $4  }
0x16: {  	[tilespmem:s28+$0x2930] =	vst v0  }
0x17: {  	[tilespmem:s28+$0x2940] =	vst v0  }
0x18: {  	[tilespmem:s28+$0x2950] =	vst v0  }
0x19: {  	[tilespmem:s28+$0x2960] =	vst v0;
	s28 =	sshra.s32 s29, $0x2;
	s29 =	sadd.s32 $0x200, s29  }
0x1a: {  	[tilespmem:s28+$0x2970] =	vst v0  }
0x1b: {  	[tilespmem:s28+$0x2900] =	vst v0  }
0x1c: {  	[tilespmem:s28+$0x2910] =	vst v0  }
0x1d: {  	[tilespmem:s28+$0x2920] =	vst v0  }
0x1e: {  	[tilespmem:s28+$0x2930] =	vst v0  }
0x1f: {  	[tilespmem:s28+$0x2940] =	vst v0  }
0x20: {  	[tilespmem:s28+$0x2950] =	vst v0  }
0x21: {  	[tilespmem:s28+$0x2960] =	vst v0  }
0x22: {  	[spmem:s5] =	stream.linear.scatter [tilespmem:s13], [sflag:$0x5], $0x4000, $0x38;
	[tilespmem:$0x1E900] =	vst v63  }
0x23: {  	_ =	swait.ge [sflag:s14], $0x4000  }
0x24: {  	[sflag:s14] =	ssyncset.done $0x0  }
0x25: {  	[sflag:s14] =	ssyncadd.s32 $0xFFFFC000  }
0x26: {  	[spmem:s9] =	stream.linear.scatter [tilespmem:s13], [sflag:$0x5], $0x4000, $0x38;
	[tilespmem:$0x1E900] =	vst v63  }
0x27: {  	_ =	swait.ge [sflag:s14], $0x4000  }
0x28: {  	[sflag:s14] =	ssyncset.done $0x0  }
0x29: {  	[sflag:s14] =	ssyncadd.s32 $0xFFFFC000  }
0x2a: {  	[spmem:s10] =	stream.linear.scatter [tilespmem:s13], [sflag:$0x5], $0x4000, $0x38;
	[tilespmem:$0x1E900] =	vst v63  }
0x2b: {  	_ =	swait.ge [sflag:s14], $0x4000  }
0x2c: {  	[sflag:s14] =	ssyncset.done $0x0  }
0x2d: {  	[sflag:s14] =	ssyncadd.s32 $0xFFFFC000  }
0x2e: {  	[spmem:s11] =	stream.linear.scatter [tilespmem:s13], [sflag:$0x5], $0x4000, $0x38;
	[tilespmem:$0x1E900] =	vst v63  }
0x2f: {  	_ =	swait.ge [sflag:s14], $0x4000  }
0x30: {  	[sflag:s14] =	ssyncset.done $0x0  }
0x31: {  	[sflag:s14] =	ssyncadd.s32 $0xFFFFC000  }
0x32: {  	[spmem:s12] =	stream.linear.scatter [tilespmem:s13], [sflag:$0x5], $0x4000, $0x38;
	[tilespmem:$0x1E900] =	vst v63  }
0x33: {  	_ =	swait.ge [sflag:s14], $0x4000  }
0x34: {  	[sflag:s14] =	ssyncset.done $0x0  }
0x35: {  	[sflag:s14] =	ssyncadd.s32 $0xFFFFC000  }
0x36: {  	s28 =	simm.s32 $0x0;
	[bflag:$0x0] =	sbarrier.arrive $0xFFFF  }
0x37: {  	[tilespmem:s28], [sflag:$0x5] =	stream.linear.gather [hbm4b:s6+s28], $0x2800, $0x38;
	[tilespmem:$0x1E900] =	vst v63  }
0x38: {  	_ =	swait.ge [sflag:s14], $0x2800  }
0x39: {  	[sflag:s14] =	ssyncset.done $0x0  }
0x3a: {  	s29 =	simm.s32 $0x80;
	[sflag:s14] =	ssyncadd.s32 $0xFFFFD800  }
0x3b: {  	[tilespmem:s13], [sflag:$0x1] =	stream.indirect.gather [hbm4b:s4+s29], $0x80, s28, s29, $0xb8;
	[tilespmem:$0x1E900] =	vst v63  }
0x3c: {  	_ = 	snop  }
0x3d: {  	[tilespmem:s15], [sflag:$0x3] =	stream.linear.gather [hbm4b:s7+s28], $0x80, $0x38;
	[tilespmem:$0x1E900] =	vst v63  }
0x3e: {  	s30 =	simm.s32 $0x10;
	s28 =	sand.u32 $0x780, s28  }
0x3f: {  	s30 =	sand.u32 $0x70, s30;
	s28 =	sadd.s32 s7, s28  }
0x40: {  	[tilespmem:s18], [sflag:$0x2] =	stream.indirect.gather [hbm4b:s4+s17], $0x80, s29, s17, $0xb8;
	[tilespmem:$0x1E900] =	vst v63  }
0x41: {  	s28 =	sadd.s32 s30, s28  }
0x42: {  	[tilespmem:s19], [sflag:$0x4] =	stream.linear.gather [hbm4b:s28+s3], $0x80, $0x38;
	[tilespmem:$0x1E900] =	vst v63  }
0x43: {  	_ =	swait.ge [sflag:s20], $0x4000  }
0x44: {  	[sflag:s20] =	ssyncset.done $0x0  }
0x45: {  	[sflag:s20] =	ssyncadd.s32 $0xFFFFC000  }
0x46: {  	_ =	swait.ge [sflag:s21], $0x80  }
0x47: {  	[sflag:s21] =	ssyncset.done $0x0  }
0x48: {  	[sflag:s21] =	ssyncadd.s32 $0xFFFFFF80  }
0x49: {  	[spmem:s2] =	stream.indirect.scatter.add.f32 [tilespmem:s13], [sflag:$0x5], $0x80, s15, s17, $0xb8;
	[tilespmem:$0x1E900] =	vst v63  }
0x4a: {  	_ =	swait.ge [sflag:s14], $0x4000  }
0x4b: {  	[sflag:s14] =	ssyncset.done $0x0  }
0x4c: {  	s28 =	simm.s32 $0x100;
	[sflag:s14] =	ssyncadd.s32 $0xFFFFC000  }
0x4d: {  	[tilespmem:s13], [sflag:$0x1] =	stream.indirect.gather [hbm4b:s4+s17], $0x80, s28, s17, $0xb8;
	[tilespmem:$0x1E900] =	vst v63  }
0x4e: {  	s28 =	sadd.s32 $0x0, s16  }
0x4f: {  	[tilespmem:s15], [sflag:$0x3] =	stream.linear.gather [hbm4b:s28+s3], $0x80, $0x38;
	[tilespmem:$0x1E900] =	vst v63  }
0x50: {  	_ =	swait.ge [sflag:s22], $0x4000  }
0x51: {  	[sflag:s22] =	ssyncset.done $0x0  }
0x52: {  	[sflag:s22] =	ssyncadd.s32 $0xFFFFC000  }
0x53: {  	_ =	swait.ge [sflag:s23], $0x80  }
0x54: {  	s30 =	simm.s32 $0x40;
	[sflag:s23] =	ssyncset.done $0x0  }
0x55: {  	s29 =	simm.s32 $0x180;
	s28 =	simm.s32 $0x20;
	[sflag:s23] =	ssyncadd.s32 $0xFFFFFF80  }
0x56: {  	[spmem:s2] =	stream.indirect.scatter.add.f32 [tilespmem:s18], [sflag:$0x5], $0x80, s19, s17, $0xb8;
	[tilespmem:$0x1E900] =	vst v63  }
.LBB2_4:
0x57: {  	s31 =	sand.u32 $0x780, s28  }
0x58: {  	s1 =	sadd.s32 $0x10, s28;
	_ =	swait.ge [sflag:s14], $0x4000;
	s0 =	smov.u32 s30  }
0x59: {  	s1 =	sand.u32 $0x70, s1;
	s31 =	sadd.s32 s7, s31;
	[sflag:s14] =	ssyncset.done $0x0  }
0x5a: {  	s25 =	sadd.s32 $0x20, s30;
	s1 =	sadd.s32 s1, s31;
	[sflag:s14] =	ssyncadd.s32 $0xFFFFC000  }
0x5b: {  	[tilespmem:s18], [sflag:$0x2] =	stream.indirect.gather [hbm4b:s4+s17], $0x80, s29, s17, $0xb8;
	[tilespmem:$0x1E900] =	vst v63  }
0x5c: {  	p0 =	sne.s32 s30, $0x4C0  }
0x5d: {  	[tilespmem:s19], [sflag:$0x4] =	stream.linear.gather [hbm4b:s1+s3], $0x80, $0x38;
	[tilespmem:$0x1E900] =	vst v63  }
0x5e: {  	_ =	swait.ge [sflag:s20], $0x4000  }
0x5f: {  	[sflag:s20] =	ssyncset.done $0x0  }
0x60: {  	[sflag:s20] =	ssyncadd.s32 $0xFFFFC000  }
0x61: {  	_ =	swait.ge [sflag:s21], $0x80  }
0x62: {  	[sflag:s21] =	ssyncset.done $0x0  }
0x63: {  	[sflag:s21] =	ssyncadd.s32 $0xFFFFFF80  }
0x64: {  	[spmem:s2] =	stream.indirect.scatter.add.f32 [tilespmem:s13], [sflag:$0x5], $0x80, s15, s17, $0xb8;
	[tilespmem:$0x1E900] =	vst v63  }
0x65: {  	s1 =	sadd.s32 $0x80, s29;
	_ =	swait.ge [sflag:s14], $0x4000  }
0x66: {  	[sflag:s14] =	ssyncset.done $0x0  }
0x67: {  	s30 =	sadd.s32 s28, s16;
	s28 =	smov.u32 s0;
	[sflag:s14] =	ssyncadd.s32 $0xFFFFC000  }
0x68: {  	[tilespmem:s13], [sflag:$0x1] =	stream.indirect.gather [hbm4b:s4+s17], $0x80, s1, s17, $0xb8;
	[tilespmem:$0x1E900] =	vst v63  }
0x69: {  	_ = 	snop  }
0x6a: {  	[tilespmem:s15], [sflag:$0x3] =	stream.linear.gather [hbm4b:s30+s3], $0x80, $0x38;
	[tilespmem:$0x1E900] =	vst v63  }
0x6b: {  	_ =	swait.ge [sflag:s22], $0x4000  }
0x6c: {  	[sflag:s22] =	ssyncset.done $0x0  }
.Ltmp1:
0x6d: {  	[sflag:s22] =	ssyncadd.s32 $0xFFFFC000;
	(pc) =	sbr.rel @p0 .LBB2_4-.Ltmp1, $4  }
0x6e: {  	_ =	swait.ge [sflag:s23], $0x80  }
0x6f: {  	[sflag:s23] =	ssyncset.done $0x0  }
0x70: {  	s29 =	sadd.s32 $0x100, s29;
	s30 =	smov.u32 s25;
	[sflag:s23] =	ssyncadd.s32 $0xFFFFFF80  }
0x71: {  	[spmem:s2] =	stream.indirect.scatter.add.f32 [tilespmem:s18], [sflag:$0x5], $0x80, s19, s17, $0xb8;
	[tilespmem:$0x1E900] =	vst v63  }
0x72: {  	_ =	swait.ge [sflag:s14], $0x4000  }
0x73: {  	s0 =	sand.u32 $0x780, s28;
	s1 =	sadd.s32 $0x10, s28;
	[sflag:s14] =	ssyncset.done $0x0  }
0x74: {  	s1 =	sand.u32 $0x70, s1;
	s0 =	sadd.s32 s7, s0;
	[sflag:s14] =	ssyncadd.s32 $0xFFFFC000  }
0x75: {  	[tilespmem:s18], [sflag:$0x2] =	stream.indirect.gather [hbm4b:s4+s17], $0x80, s29, s17, $0xb8;
	[tilespmem:$0x1E900] =	vst v63  }
0x76: {  	s0 =	sadd.s32 s1, s0  }
0x77: {  	[tilespmem:s19], [sflag:$0x4] =	stream.linear.gather [hbm4b:s0+s3], $0x80, $0x38;
	[tilespmem:$0x1E900] =	vst v63  }
0x78: {  	_ =	swait.ge [sflag:s20], $0x4000  }
0x79: {  	[sflag:s20] =	ssyncset.done $0x0  }
0x7a: {  	[sflag:s20] =	ssyncadd.s32 $0xFFFFC000  }
0x7b: {  	_ =	swait.ge [sflag:s21], $0x80  }
0x7c: {  	[sflag:s21] =	ssyncset.done $0x0  }
0x7d: {  	[sflag:s21] =	ssyncadd.s32 $0xFFFFFF80  }
0x7e: {  	[spmem:s2] =	stream.indirect.scatter.add.f32 [tilespmem:s13], [sflag:$0x5], $0x80, s15, s17, $0xb8;
	[tilespmem:$0x1E900] =	vst v63  }
0x7f: {  	_ =	swait.ge [sflag:s14], $0x4000  }
0x80: {  	[sflag:s14] =	ssyncset.done $0x0  }
0x81: {  	s1 =	sadd.s32 $0x80, s29;
	[sflag:s14] =	ssyncadd.s32 $0xFFFFC000  }
0x82: {  	[tilespmem:s13], [sflag:$0x1] =	stream.indirect.gather [hbm4b:s4+s17], $0x80, s1, s17, $0xb8;
	[tilespmem:$0x1E900] =	vst v63  }
0x83: {  	s25 =	sadd.s32 s28, s16  }
0x84: {  	[tilespmem:s15], [sflag:$0x3] =	stream.linear.gather [hbm4b:s25+s3], $0x80, $0x38;
	[tilespmem:$0x1E900] =	vst v63  }
0x85: {  	_ =	swait.ge [sflag:s22], $0x4000  }
0x86: {  	[sflag:s22] =	ssyncset.done $0x0  }
0x87: {  	[sflag:s22] =	ssyncadd.s32 $0xFFFFC000  }
0x88: {  	_ =	swait.ge [sflag:s23], $0x80  }
0x89: {  	[sflag:s23] =	ssyncset.done $0x0  }
0x8a: {  	[sflag:s23] =	ssyncadd.s32 $0xFFFFFF80  }
0x8b: {  	[spmem:s2] =	stream.indirect.scatter.add.f32 [tilespmem:s18], [sflag:$0x5], $0x80, s19, s17, $0xb8;
	[tilespmem:$0x1E900] =	vst v63  }
0x8c: {  	_ =	swait.ge [sflag:s14], $0x4000  }
0x8d: {  	[sflag:s14] =	ssyncset.done $0x0  }
0x8e: {  	s28 =	simm.s32 $0x2780;
	[sflag:s14] =	ssyncadd.s32 $0xFFFFC000  }
0x8f: {  	[tilespmem:s18], [sflag:$0x2] =	stream.indirect.gather [hbm4b:s4+s17], $0x80, s28, s17, $0xb8;
	[tilespmem:$0x1E900] =	vst v63  }
0x90: {  	s29 =	sadd.s32 $0x4F0, s7  }
0x91: {  	[tilespmem:s19], [sflag:$0x4] =	stream.linear.gather [hbm4b:s29+s3], $0x80, $0x38;
	[tilespmem:$0x1E900] =	vst v63  }
0x92: {  	_ =	swait.ge [sflag:s20], $0x4000  }
0x93: {  	[sflag:s20] =	ssyncset.done $0x0  }
0x94: {  	[sflag:s20] =	ssyncadd.s32 $0xFFFFC000  }
0x95: {  	_ =	swait.ge [sflag:s21], $0x80  }
0x96: {  	[sflag:s21] =	ssyncset.done $0x0  }
0x97: {  	[sflag:s21] =	ssyncadd.s32 $0xFFFFFF80  }
0x98: {  	[spmem:s2] =	stream.indirect.scatter.add.f32 [tilespmem:s13], [sflag:$0x5], $0x80, s15, s17, $0xb8;
	[tilespmem:$0x1E900] =	vst v63  }
0x99: {  	_ =	swait.ge [sflag:s14], $0x4000  }
0x9a: {  	[sflag:s14] =	ssyncset.done $0x0  }
0x9b: {  	[sflag:s14] =	ssyncadd.s32 $0xFFFFC000  }
0x9c: {  	_ =	swait.ge [sflag:s22], $0x4000  }
0x9d: {  	[sflag:s22] =	ssyncset.done $0x0  }
0x9e: {  	[sflag:s22] =	ssyncadd.s32 $0xFFFFC000  }
0x9f: {  	_ =	swait.ge [sflag:s23], $0x80  }
0xa0: {  	[sflag:s23] =	ssyncset.done $0x0  }
0xa1: {  	[sflag:s23] =	ssyncadd.s32 $0xFFFFFF80  }
0xa2: {  	[spmem:s2] =	stream.indirect.scatter.add.f32 [tilespmem:s18], [sflag:$0x5], $0x80, s19, s17, $0xb8;
	[tilespmem:$0x1E900] =	vst v63  }
0xa3: {  	s30 =	stileid.u32;
	_ =	swait.ge [sflag:s14], $0x4000  }
0xa4: {  	s31 =	sshrl.u32 s5, $0x3;
	s26 =	sadd.s32 $0x1, s26;
	[sflag:s14] =	ssyncset.done $0x0  }
0xa5: {  	p0 =	sne.s32 s26, s8;
	s0 =	sshll.u32 s30, $0x6;
	[sflag:s14] =	ssyncadd.s32 $0xFFFFC000  }
.Ltmp2:
0xa6: {  	s0 =	sor.u32 $0x1C05, s0;
	[bflag:$0x0] =	sbarrier.arrive $0xFFFF;
	(pc) =	sbr.rel @p0 .LBB2_1-.Ltmp2, $4  }
0xa7: {  	[hbm:s24], [sflag:s0] =	dma.local [spmem:s31], $0x2800  }
0xa8: {  	_ =	swait.ge [sflag:s14], $0x2800  }
0xa9: {  	[sflag:s14] =	ssyncset.done $0x0  }
0xaa: {  	[sflag:s14] =	ssyncadd.s32 $0xFFFFD800  }
0xab: {  	_ =	sfence.sel $0x180000  }
0xac: {  	[bflag:$0x0] =	sbarrier.arrive $0xFFFF  }
0xad: {  	_ =	strace $0x9000004A  }
0xae: {  	s0 =	stileid.u32;
	[bflag:$0x2] =	sbarrier.arrive $0xFFFF  }
0xaf: {  	p0 =	sne.s32 s0, $0x0;
	s0 =	rddreg [dreg:$0x3]  }
0xb0: {  	s0 =	sadd.s32 @!p0 $0x100000, s0  }
0xb1: {  	[sflag:s0] =	ssyncadd.tile.s32 @!p0 $0x1;
	_ =	shalt  }
.Lfunc_end2:
_tile_overlayer_lowered:
.L_overlay_start_2:
0xb2: {  	(tag) =	ssettag $0x2  }
0xb3: {  	s0 =	rddreg [dreg:$0x0];
	s2 =	stileid.u32  }
0xb4: {  	s1 =	rddreg [dreg:$0x1];
	p0 =	sne.s32 s2, $0x0  }
0xb5: {  	s3 =	rddreg [dreg:$0x2];
	[bflag:$0x3] =	sbarrier.arrive $0xFFFF;
	s2 =	simm.s32 @!p0 $0x1C05  }
0xb6: {  	[timem:s3], [sflag:s2] =	dma.local @!p0 [hbm:s0], s1  }
0xb7: {  	s0 =	simm.s32 @!p0 $0x5  }
0xb8: {  	_ =	swait.ge @!p0 [sflag:s0], s1  }
0xb9: {  	s1 =	ssub.s32 @!p0 $0x0, s1;
	[sflag:s0] =	ssyncset.done @!p0 $0x0  }
0xba: {  	[sflag:s0] =	ssyncadd.s32 @!p0 s1  }
0xbb: {  	[bflag:$0x3] =	sbarrier.arrive $0xFFFF  }
0xbc: {  	_ =	shalt  }

// kernel: _run.16.cloned.1.call-start
scs
__scs_entry_jumppad:
0x0: {  	(pc) =	sbr.rel $0x88, $3  }
0x1: {  	(tag) =	ssettag $0x0;
	lr =	simm.s32 $0x1  }
0x2: {  	[smem:$0x3F9B] =	sst lr;
	_ =	strace $0xD0000000  }
0x3: {  	_ = 	snop  }
0x4: {  	_ = 	snop  }
0x5: {  	_ = 	snop  }
0x6: {  	_ = 	snop  }
0x7: {  	_ = 	snop  }
__scs_overlays_trampoline_lowered:
0x8: {  	[smem:$0x3FAA] =	sst s0  }
0x9: {  	[smem:$0x3FAB] =	sst s1  }
0xa: {  	[smem:$0x3FAC] =	sst s2  }
0xb: {  	[smem:$0x3FAD] =	sst s3  }
0xc: {  	[smem:$0x3FAE] =	sst s4  }
0xd: {  	[smem:$0x3FAF] =	sst s5  }
0xe: {  	[smem:$0x3FB0] =	sst s6  }
0xf: {  	[smem:$0x3FB1] =	sst s7  }
0x10: {  	[smem:$0x3FB2] =	sst s8  }
0x11: {  	[smem:$0x3FB3] =	sst s9;
	s0 =	simm.s32 @!p0 $0x0  }
0x12: {  	s1 =	sld [smem:$0x3F99];
	s0 =	simm.s32 @p0 $0x1  }
0x13: {  	[smem:$0x3FB4] =	sst s0;
	s0 =	simm.s32 @!p1 $0x0  }
0x14: {  	s2 =	sld [smem:$0x3F98];
	s0 =	simm.s32 @p1 $0x1  }
0x15: {  	[smem:$0x3FB5] =	sst s0;
	s0 =	simm.s32 @!p2 $0x0  }
0x16: {  	s3 =	sld [smem:$0x3FDB];
	s0 =	simm.s32 @p2 $0x1  }
0x17: {  	s4 =	simm.s32 $0x1BF5;
	[smem:$0x3FB7] =	sst s0  }
0x18: {  	s0 =	sld [smem:$0x3F9A];
	_ =	swait.ge [sflag:s4], $0x0  }
0x19: {  	s7 =	sld [smem:$0x3F9B]  }
0x1a: {  	s8 =	sadd.s32 $0xFFFFE003, lr  }
0x1b: {  	s9 =	sadd.s32 $0xFFFFFEF7, lr;
	s5 =	simm.s32 $0xFFFFFFFF;
	p2 =	slt.u32 s8, $0xFFFFF086  }
0x1c: {  	p1 =	slt.u32 s9, $0xF7A;
	s5 =	simm.s32 @!p2 $0x0  }
0x1d: {  	s5 =	simm.s32 @p1 $0x1;
	p0 =	seq.s32 s7, s2  }
0x1e: {  	s7 =	smul.u32 @!p0 $0xF7A, s2;
	p2 =	seq.s32 @!p0 s5, $0x0  }
0x1f: {  	s9 =	smul.u32 $0xF7A, s1;
	s8 =	simm.s32 @!p0 $0x1BF5;
	p2 =	por !p2, p0  }
0x20: {  	[sflag:s8] =	ssyncset.s32 @!p0 $0xFFFFF086;
	s6 =	sadd.s32 @!p0 s3, s7;
	s7 =	simm.s32 @!p0 $0x108  }
0x21: {  	s3 =	sadd.s32 s3, s9;
	s6 =	sadd.s32 @!p0 $0x88, s6;
	s7 =	simm.s32 @p2 $0x1082  }
0x22: {  	[simem:s7], [sflag:s8] =	dma.local @!p0 [hbm:s6], $0xF7A  }
0x23: {  	s9 =	sor.u32 $0xD0000000, s2;
	s6 =	simm.s32 $0x108;
	_ =	swait.ge @!p0 [sflag:s8], $0x0  }
0x24: {  	s3 =	sadd.s32 $0x88, s3;
	s6 =	simm.s32 @!p1 $0x1082;
	[sflag:s4] =	ssyncset.s32 $0xFFFFF086  }
0x25: {  	[simem:s6], [sflag:s4] =	dma.local [hbm:s3], $0xF7A  }
0x26: {  	[smem:$0x3F9B] =	sst s1;
	(tag) =	ssettag s2;
	_ =	strace s9  }
0x27: {  	s1 =	sld [smem:$0x3FAB]  }
0x28: {  	s2 =	sld [smem:$0x3FAC]  }
0x29: {  	s4 =	sld [smem:$0x3FAE]  }
0x2a: {  	p0 =	seq.s32 s5, $0x0;
	s5 =	sld [smem:$0x3FAF]  }
0x2b: {  	s6 =	sld [smem:$0x3FB0]  }
0x2c: {  	s7 =	sld [smem:$0x3FB1]  }
0x2d: {  	s3 =	simm.s32 $0x108;
	s8 =	sld [smem:$0x3FB2]  }
0x2e: {  	s3 =	simm.s32 @!p0 $0x1082;
	s9 =	sld [smem:$0x3FB3]  }
0x2f: {  	lr =	sadd.s32 s0, s3;
	s0 =	sld [smem:$0x3FAA]  }
0x30: {  	s3 =	sld [smem:$0x3FAD]  }
0x31: {  	[smem:$0x3FB6] =	sst s10  }
0x32: {  	s10 =	sld [smem:$0x3FB4];
	_ =	sdelay $0x3  }
0x33: {  	p0 =	seq.s32 s10, $0x1;
	s10 =	sld [smem:$0x3FB6];
	_ =	sdelay $0x3  }
0x34: {  	[smem:$0x3FB6] =	sst s10  }
0x35: {  	s10 =	sld [smem:$0x3FB5];
	_ =	sdelay $0x3  }
0x36: {  	p1 =	seq.s32 s10, $0x1;
	s10 =	sld [smem:$0x3FB6];
	_ =	sdelay $0x3  }
0x37: {  	[smem:$0x3FB6] =	sst s10  }
0x38: {  	s10 =	sld [smem:$0x3FB7]  }
0x39: {  	_ = 	snop;
	(pc) =	sbr.ind lr, $3  }
0x3a: {  	_ = 	snop  }
0x3b: {  	_ = 	snop  }
0x3c: {  	p2 =	seq.s32 s10, $0x1;
	s10 =	sld [smem:$0x3FB6]  }
0x3d: {  	_ =	shalt  }
0x3e: {  	_ =	shalt  }
0x3f: {  	_ =	shalt  }
0x40: {  	_ =	shalt  }
0x41: {  	_ =	shalt  }
0x42: {  	_ =	shalt  }
0x43: {  	_ =	shalt  }
0x44: {  	_ =	shalt  }
0x45: {  	_ =	shalt  }
0x46: {  	_ =	shalt  }
0x47: {  	_ =	shalt  }
0x48: {  	_ =	shalt  }
0x49: {  	_ =	shalt  }
0x4a: {  	_ =	shalt  }
0x4b: {  	_ =	shalt  }
0x4c: {  	_ =	shalt  }
0x4d: {  	_ =	shalt  }
0x4e: {  	_ =	shalt  }
0x4f: {  	_ =	shalt  }
0x50: {  	_ =	shalt  }
0x51: {  	_ =	shalt  }
0x52: {  	_ =	shalt  }
0x53: {  	_ =	shalt  }
0x54: {  	_ =	shalt  }
0x55: {  	_ =	shalt  }
0x56: {  	_ =	shalt  }
0x57: {  	_ =	shalt  }
0x58: {  	_ =	shalt  }
0x59: {  	_ =	shalt  }
0x5a: {  	_ =	shalt  }
0x5b: {  	_ =	shalt  }
0x5c: {  	_ =	shalt  }
0x5d: {  	_ =	shalt  }
0x5e: {  	_ =	shalt  }
0x5f: {  	_ =	shalt  }
0x60: {  	_ =	shalt  }
0x61: {  	_ =	shalt  }
0x62: {  	_ =	shalt  }
0x63: {  	_ =	shalt  }
0x64: {  	_ =	shalt  }
0x65: {  	_ =	shalt  }
0x66: {  	_ =	shalt  }
0x67: {  	_ =	shalt  }
0x68: {  	_ =	shalt  }
0x69: {  	_ =	shalt  }
0x6a: {  	_ =	shalt  }
0x6b: {  	_ =	shalt  }
0x6c: {  	_ =	shalt  }
0x6d: {  	_ =	shalt  }
0x6e: {  	_ =	shalt  }
0x6f: {  	_ =	shalt  }
0x70: {  	_ =	shalt  }
0x71: {  	_ =	shalt  }
0x72: {  	_ =	shalt  }
0x73: {  	_ =	shalt  }
0x74: {  	_ =	shalt  }
0x75: {  	_ =	shalt  }
0x76: {  	_ =	shalt  }
0x77: {  	_ =	shalt  }
0x78: {  	_ =	shalt  }
0x79: {  	_ =	shalt  }
0x7a: {  	_ =	shalt  }
0x7b: {  	_ =	shalt  }
0x7c: {  	_ =	shalt  }
0x7d: {  	_ =	shalt  }
0x7e: {  	_ =	shalt  }
0x7f: {  	_ =	shalt  }
0x80: {  	_ =	shalt  }
0x81: {  	_ =	shalt  }
0x82: {  	_ =	shalt  }
0x83: {  	_ =	shalt  }
0x84: {  	_ =	shalt  }
0x85: {  	_ =	shalt  }
0x86: {  	_ =	shalt  }
0x87: {  	_ =	shalt  }
.Lfunc_end0:
.L_simem_size_0:
called_computation.2_lowered:
.L_overlay_start_0:
0x88: {  	s2 =	sld [smem:$0x3FD9]  }
0x89: {  	s3 =	sld [smem:$0x3FFE];
	_ =	sdelay $0x1  }
0x8a: {  	s1 =	srdreg.scid  }
0x8b: {  	s0 =	sand.u32 $0x1, s1  }
0x8c: {  	s17 =	sshll.u32 s0, $0xA;
	s2 =	sadd.s32 s3, s2  }
0x8d: {  	s2 =	sadd.s32 s2, s17  }
0x8e: {  	[smem:$0x3FC2] =	sst s2  }
0x8f: {  	_ = 	snop  }
0x90: {  	s2 =	sld [smem:$0x3FD0];
	(tm) =	ssettm $0x1  }
0x91: {  	s18 =	sld [smem:$0x3FFB];
	_ =	sdelay $0x3  }
0x92: {  	_ =	strace s18  }
0x93: {  	s3 =	sld [smem:$0x3FFC];
	_ =	sdelay $0x3  }
0x94: {  	_ =	strace s3  }
0x95: {  	s3 =	sld [smem:$0x3FFD];
	_ =	sdelay $0x3  }
0x96: {  	_ =	strace s3  }
0x97: {  	_ =	strace $0x8FFFFFFF  }
0x98: {  	s19 =	sld [smem:$0x3FDB];
	_ =	sdelay $0x1  }
0x99: {  	s4 =	simm.s32 $_scs_section_size  }
0x9a: {  	s5 =	simm.s32 $_size__tile_overlayer_lowered;
	s6 =	simm.s32 $_tile_overlayer_lowered  }
0x9b: {  	s22 =	simm.s32 $0x1BFF;
	s21 =	sshll.u32 s6, $0x1;
	s3 =	sadd.s32 s4, s19  }
0x9c: {  	s7 =	simm.s32 $0x0;
	s20 =	sshll.u32 s5, $0x1;
	s5 =	sadd.s32 s21, s3  }
0x9d: {  	[timem:s7], [sflag:s22] =	dma.local [hbm:s5], s20  }
0x9e: {  	_ =	swait.ge [sflag:s22], s20  }
0x9f: {  	s4 =	ssub.s32 $0x0, s20;
	[sflag:s22] =	ssyncset.done $0x0  }
0xa0: {  	[sflag:s22] =	ssyncadd.s32 s4;
	_ =	sdelay $0x1  }
0xa1: {  	s23 =	simm.s32 $0x1B8B  }
0xa2: {  	_ =	swait.ge [sflag:s23], $0x1  }
0xa3: {  	[sflag:s23] =	ssyncset.done $0x0  }
0xa4: {  	s25 =	simm.s32 $0x1B8E;
	s24 =	sld [smem:$0x3FFE];
	[sflag:s23] =	ssyncadd.s32 $0xFFFFFFFF  }
0xa5: {  	s26 =	simm.s32 $execute0_lowered;
	[smem:$0x3FD2] =	sst s25  }
0xa6: {  	s5 =	sshll.u32 s26, $0x1;
	_ =	strace $0x8000004C;
	[dreg:$0x1] =	wrdreg $0xFFFFFFFF  }
0xa7: {  	s28 =	simm.s32 $_size_execute0_lowered;
	s3 =	sadd.s32 s3, s5;
	[dreg:$0x0] =	wrdreg $0x0  }
0xa8: {  	s5 =	sshll.u32 s28, $0x1;
	[dreg:$0x2] =	wrdreg s3  }
0xa9: {  	[dreg:$0x3] =	wrdreg s5  }
0xaa: {  	[dreg:$0x4] =	wrdreg $0xC0  }
0xab: {  	_ =	task [dreg:s7], $0x5FFFF  }
0xac: {  	[dreg:$0x1] =	wrdreg $0xFFFFFFFF  }
0xad: {  	[dreg:$0x0] =	wrdreg $0x60  }
0xae: {  	[dreg:$0x2] =	wrdreg s24  }
0xaf: {  	[dreg:$0x3] =	wrdreg s2  }
0xb0: {  	[dreg:$0x4] =	wrdreg $0x69000  }
0xb1: {  	[dreg:$0x5] =	wrdreg $0x9  }
0xb2: {  	_ =	task.clear_ibuf [dreg:s7], $0x6FFFF;
	_ =	strace $0x9000004C  }
0xb3: {  	s29 =	simm.s32 $0x9;
	_ =	strace $0x8000004E  }
0xb4: {  	_ =	swait.ge [sflag:s29], $0x1  }
0xb5: {  	[sflag:s29] =	ssyncadd.s32 $0xFFFFFFFF  }
0xb6: {  	_ =	strace $0x9000004E  }
0xb7: {  	_ =	sfence  }
0xb8: {  	s30 =	sld [smem:$0x0];
	_ =	sdelay $0x2  }
0xb9: {  	s31 =	sshll.u32 s1, $0xD;
	s1 =	sshrl.u32 s1, $0x2  }
0xba: {  	s3 =	sand.u32 $0x4000, s31;
	s1 =	sadd.s32 s1, s30  }
0xbb: {  	s0 =	sor.u32 s3, s0;
	s1 =	sshll.u32 s1, $0x11  }
0xbc: {  	s0 =	sor.u32 s1, s0  }
0xbd: {  	s0 =	sadd.s32 $0x8F2B, s0  }
0xbe: {  	[sflag:s0] =	ssyncadd.remote.s32 $0x1  }
0xbf: {  	_ =	sfence.sel $0xFFFF  }
0xc0: {  	[dreg:$0x0] =	wrdreg $0xFFFFFFFF;
	(pc) =	sbr.abs _section_cstart, $3  }
0xc1: {  	[dreg:$0x1] =	wrdreg $0xFFFFFFFF  }
0xc2: {  	_ =	task.clear_ibuf [dreg:s7], $0x2FFFF;
	_ =	strace $0x9FFFFFFF  }
0xc3: {  	(tm) =	ssettm $0x7FFFFFFF  }
tec
execute0_lowered:
.L_overlay_start_1:
0x0: {  	(tag) =	ssettag $0x1  }
0x1: {  	s5 =	rddreg [dreg:$0x0]  }
0x2: {  	s7 =	rddreg [dreg:$0x1]  }
0x3: {  	s0 =	srdreg.scid;
	s2 =	rddreg [dreg:$0x2];
	s3 =	simm.s32 $0x0  }
0x4: {  	s13 =	simm.s32 $0x2900;
	s14 =	simm.s32 $0x5;
	s15 =	simm.s32 $0x2800  }
0x5: {  	s16 =	simm.s32 $0x80;
	s17 =	simm.s32 $0x4900;
	s18 =	simm.s32 $0x2880  }
0x6: {  	s19 =	simm.s32 $0x1;
	s20 =	simm.s32 $0x3;
	s21 =	simm.s32 $0x2  }
0x7: {  	s22 =	simm.s32 $0x4;
	s6 =	sand.u32 $0x1, s0;
	s0 =	stileid.u32  }
0x8: {  	s26 =	simm.s32 $0x0;
	[smem:$0x7FF] =	sst s3;
	s9 =	smul.u32 $0x14000, s6  }
0x9: {  	s1 =	sshll.u32 s6, $0x4;
	_ =	strace $0x8000004D;
	s10 =	smul.u32 $0x28000, s0  }
0xa: {  	s6 =	ssub.s32 $0x2, s6;
	s31 =	smul.u32 $0xA000, s0;
	s4 =	sor.u32 s0, s1  }
0xb: {  	s30 =	sshrl.u32 s6, $0x1;
	s8 =	smul.u32 $0x500, s4;
	s4 =	sadd.s32 $0x16000, s5  }
0xc: {  	s9 =	sadd.s32 s9, s5;
	s10 =	sshrl.u32 s10, $0x2;
	s12 =	ssub.s32 s6, s30  }
0xd: {  	s24 =	sshrl.u32 s31, $0x3;
	s25 =	sadd.s32 s31, s2;
	s23 =	sadd.s32 $0x2A000, s9  }
0xe: {  	s25 =	sshrl.u32 s25, $0x3;
	s11 =	sadd.s32 s8, s5;
	s5 =	sadd.s32 s10, s2  }
0xf: {  	s7 =	sadd.s32 s7, s8;
	s8 =	smax.u32 s12, $0x1;
	s23 =	sadd.s32 s24, s23  }
0x10: {  	s24 =	simm.s32 $0x2780;
	s6 =	sadd.s32 $0xC000, s11;
	s9 =	sadd.s32 $0x2000, s5  }
0x11: {  	v0 =	vimm.f32 $0.0e+00;
	s10 =	sadd.s32 $0x4000, s5;
	s11 =	sadd.s32 $0x6000, s5;
	s12 =	sadd.s32 $0x8000, s5  }
.LBB2_1:
0x12: {  	s29 =	simm.s32 $0x100;
	s28 =	simm.s32 $0x0  }
.LBB2_2:
0x13: {  	p0 =	sne.s32 s29, $0x7F00;
	[tilespmem:s28+$0x2930] =	vst v0;
	s30 =	smov.u32 s29;
	s29 =	sadd.s32 $0x100, s29  }
.Ltmp0:
0x14: {  	[tilespmem:s28+$0x2920] =	vst v0;
	(pc) =	sbr.rel @p0 .LBB2_2-.Ltmp0, $3  }
0x15: {  	[tilespmem:s28+$0x2900] =	vst v0  }
0x16: {  	[tilespmem:s28+$0x2910] =	vst v0;
	_ =	sdelay $0x1  }
0x17: {  	s28 =	sshra.s32 s30, $0x2  }
0x18: {  	[tilespmem:s28+$0x2930] =	vst v0  }
0x19: {  	[tilespmem:s28+$0x2920] =	vst v0  }
0x1a: {  	[tilespmem:s28+$0x2900] =	vst v0  }
0x1b: {  	[tilespmem:s28+$0x2910] =	vst v0  }
0x1c: {  	[spmem:s5] =	stream.linear.scatter [tilespmem:s13], [sflag:$0x5], $0x2000, $0x38;
	[tilespmem:$0x10900] =	vst v63  }
0x1d: {  	_ =	swait.ge [sflag:s14], $0x2000  }
0x1e: {  	[sflag:s14] =	ssyncset.done $0x0  }
0x1f: {  	[sflag:s14] =	ssyncadd.s32 $0xFFFFE000  }
0x20: {  	[spmem:s9] =	stream.linear.scatter [tilespmem:s13], [sflag:$0x5], $0x2000, $0x38;
	[tilespmem:$0x10900] =	vst v63  }
0x21: {  	_ =	swait.ge [sflag:s14], $0x2000  }
0x22: {  	[sflag:s14] =	ssyncset.done $0x0  }
0x23: {  	[sflag:s14] =	ssyncadd.s32 $0xFFFFE000  }
0x24: {  	[spmem:s10] =	stream.linear.scatter [tilespmem:s13], [sflag:$0x5], $0x2000, $0x38;
	[tilespmem:$0x10900] =	vst v63  }
0x25: {  	_ =	swait.ge [sflag:s14], $0x2000  }
0x26: {  	[sflag:s14] =	ssyncset.done $0x0  }
0x27: {  	[sflag:s14] =	ssyncadd.s32 $0xFFFFE000  }
0x28: {  	[spmem:s11] =	stream.linear.scatter [tilespmem:s13], [sflag:$0x5], $0x2000, $0x38;
	[tilespmem:$0x10900] =	vst v63  }
0x29: {  	_ =	swait.ge [sflag:s14], $0x2000  }
0x2a: {  	[sflag:s14] =	ssyncset.done $0x0  }
0x2b: {  	[sflag:s14] =	ssyncadd.s32 $0xFFFFE000  }
0x2c: {  	[spmem:s12] =	stream.linear.scatter [tilespmem:s13], [sflag:$0x5], $0x2000, $0x38;
	[tilespmem:$0x10900] =	vst v63  }
0x2d: {  	_ =	swait.ge [sflag:s14], $0x2000  }
0x2e: {  	[sflag:s14] =	ssyncset.done $0x0  }
0x2f: {  	[sflag:s14] =	ssyncadd.s32 $0xFFFFE000  }
0x30: {  	[bflag:$0x0] =	sbarrier.arrive $0xFFFF  }
0x31: {  	[tilespmem:s3], [sflag:$0x5] =	stream.linear.gather [hbm4b:s6+s3], $0x2800, $0x38;
	[tilespmem:$0x10900] =	vst v63  }
0x32: {  	_ =	swait.ge [sflag:s14], $0x2800  }
0x33: {  	[sflag:s14] =	ssyncset.done $0x0  }
0x34: {  	s28 =	simm.s32 $0x80;
	[sflag:s14] =	ssyncadd.s32 $0xFFFFD800  }
0x35: {  	[tilespmem:s13], [sflag:$0x1] =	stream.indirect.gather [hbm4b:s4+s28], $0x40, s3, s28, $0xb8;
	[tilespmem:$0x10900] =	vst v63  }
0x36: {  	_ = 	snop  }
0x37: {  	[tilespmem:s15], [sflag:$0x3] =	stream.linear.gather [hbm4b:s7+s3], $0x80, $0x38;
	[tilespmem:$0x10900] =	vst v63  }
0x38: {  	s29 =	sadd.s32 $0xFFFFFB20, s7  }
0x39: {  	[tilespmem:s17], [sflag:$0x2] =	stream.indirect.gather [hbm4b:s4+s16], $0x40, s28, s16, $0xb8;
	[tilespmem:$0x10900] =	vst v63  }
0x3a: {  	s28 =	sadd.s32 $0x4F0, s29  }
0x3b: {  	[tilespmem:s18], [sflag:$0x4] =	stream.linear.gather [hbm4b:s28+s3], $0x80, $0x38;
	[tilespmem:$0x10900] =	vst v63  }
0x3c: {  	_ =	swait.ge [sflag:s19], $0x2000  }
0x3d: {  	[sflag:s19] =	ssyncset.done $0x0  }
0x3e: {  	[sflag:s19] =	ssyncadd.s32 $0xFFFFE000  }
0x3f: {  	_ =	swait.ge [sflag:s20], $0x80  }
0x40: {  	[sflag:s20] =	ssyncset.done $0x0  }
0x41: {  	[sflag:s20] =	ssyncadd.s32 $0xFFFFFF80  }
0x42: {  	[spmem:s2] =	stream.indirect.scatter.add.f32 [tilespmem:s13], [sflag:$0x5], $0x40, s15, s16, $0xb8;
	[tilespmem:$0x10900] =	vst v63  }
0x43: {  	_ =	swait.ge [sflag:s14], $0x2000  }
0x44: {  	[sflag:s14] =	ssyncset.done $0x0  }
0x45: {  	s28 =	simm.s32 $0x100;
	[sflag:s14] =	ssyncadd.s32 $0xFFFFE000  }
0x46: {  	[tilespmem:s13], [sflag:$0x1] =	stream.indirect.gather [hbm4b:s4+s16], $0x40, s28, s16, $0xb8;
	[tilespmem:$0x10900] =	vst v63  }
0x47: {  	s28 =	sadd.s32 $0x500, s29  }
0x48: {  	[tilespmem:s15], [sflag:$0x3] =	stream.linear.gather [hbm4b:s28+s3], $0x80, $0x38;
	[tilespmem:$0x10900] =	vst v63  }
0x49: {  	_ =	swait.ge [sflag:s21], $0x2000  }
0x4a: {  	[sflag:s21] =	ssyncset.done $0x0  }
0x4b: {  	[sflag:s21] =	ssyncadd.s32 $0xFFFFE000  }
0x4c: {  	_ =	swait.ge [sflag:s22], $0x80  }
0x4d: {  	[sflag:s22] =	ssyncset.done $0x0  }
0x4e: {  	[sflag:s22] =	ssyncadd.s32 $0xFFFFFF80  }
0x4f: {  	[spmem:s2] =	stream.indirect.scatter.add.f32 [tilespmem:s17], [sflag:$0x5], $0x40, s18, s16, $0xb8;
	[tilespmem:$0x10900] =	vst v63  }
0x50: {  	_ =	swait.ge [sflag:s14], $0x2000  }
0x51: {  	s29 =	simm.s32 $0xFFFFFB40;
	s28 =	simm.s32 $0x180;
	[sflag:s14] =	ssyncset.done $0x0  }
.LBB2_4:
0x52: {  	s31 =	smov.u32 s29  }
0x53: {  	s30 =	sadd.s32 s29, s7;
	[sflag:s14] =	ssyncadd.s32 $0xFFFFE000;
	s31 =	sadd.s32 $0x20, s29  }
0x54: {  	[tilespmem:s17], [sflag:$0x2] =	stream.indirect.gather [hbm4b:s4+s16], $0x40, s28, s16, $0xb8;
	[tilespmem:$0x10900] =	vst v63  }
0x55: {  	p0 =	sne.s32 s29, $0xFFFFFFE0;
	s1 =	sadd.s32 $0x4F0, s30  }
0x56: {  	[tilespmem:s18], [sflag:$0x4] =	stream.linear.gather [hbm4b:s1+s3], $0x80, $0x38;
	[tilespmem:$0x10900] =	vst v63  }
0x57: {  	_ =	swait.ge [sflag:s19], $0x2000  }
0x58: {  	[sflag:s19] =	ssyncset.done $0x0  }
0x59: {  	[sflag:s19] =	ssyncadd.s32 $0xFFFFE000  }
0x5a: {  	_ =	swait.ge [sflag:s20], $0x80  }
0x5b: {  	[sflag:s20] =	ssyncset.done $0x0  }
0x5c: {  	[sflag:s20] =	ssyncadd.s32 $0xFFFFFF80  }
0x5d: {  	[spmem:s2] =	stream.indirect.scatter.add.f32 [tilespmem:s13], [sflag:$0x5], $0x40, s15, s16, $0xb8;
	[tilespmem:$0x10900] =	vst v63  }
0x5e: {  	_ =	swait.ge [sflag:s14], $0x2000  }
0x5f: {  	[sflag:s14] =	ssyncset.done $0x0  }
0x60: {  	s1 =	sadd.s32 $0x80, s28;
	[sflag:s14] =	ssyncadd.s32 $0xFFFFE000  }
0x61: {  	[tilespmem:s13], [sflag:$0x1] =	stream.indirect.gather [hbm4b:s4+s16], $0x40, s1, s16, $0xb8;
	[tilespmem:$0x10900] =	vst v63  }
0x62: {  	s1 =	sadd.s32 $0x500, s30  }
0x63: {  	[tilespmem:s15], [sflag:$0x3] =	stream.linear.gather [hbm4b:s1+s3], $0x80, $0x38;
	[tilespmem:$0x10900] =	vst v63  }
0x64: {  	_ =	swait.ge [sflag:s21], $0x2000  }
0x65: {  	[sflag:s21] =	ssyncset.done $0x0  }
0x66: {  	[sflag:s21] =	ssyncadd.s32 $0xFFFFE000  }
0x67: {  	_ =	swait.ge [sflag:s22], $0x80  }
.Ltmp1:
0x68: {  	[sflag:s22] =	ssyncset.done $0x0;
	(pc) =	sbr.rel @p0 .LBB2_4-.Ltmp1, $4  }
0x69: {  	[sflag:s22] =	ssyncadd.s32 $0xFFFFFF80  }
0x6a: {  	[spmem:s2] =	stream.indirect.scatter.add.f32 [tilespmem:s17], [sflag:$0x5], $0x40, s18, s16, $0xb8;
	[tilespmem:$0x10900] =	vst v63  }
0x6b: {  	_ =	swait.ge [sflag:s14], $0x2000  }
0x6c: {  	s29 =	smov.u32 s31;
	s28 =	sadd.s32 $0x100, s28;
	[sflag:s14] =	ssyncset.done $0x0  }
0x6d: {  	[sflag:s14] =	ssyncadd.s32 $0xFFFFE000  }
0x6e: {  	[tilespmem:s17], [sflag:$0x2] =	stream.indirect.gather [hbm4b:s4+s16], $0x40, s24, s16, $0xb8;
	[tilespmem:$0x10900] =	vst v63  }
0x6f: {  	s1 =	sadd.s32 $0x4F0, s7  }
0x70: {  	[tilespmem:s18], [sflag:$0x4] =	stream.linear.gather [hbm4b:s1+s3], $0x80, $0x38;
	[tilespmem:$0x10900] =	vst v63  }
0x71: {  	_ =	swait.ge [sflag:s19], $0x2000  }
0x72: {  	[sflag:s19] =	ssyncset.done $0x0  }
0x73: {  	[sflag:s19] =	ssyncadd.s32 $0xFFFFE000  }
0x74: {  	_ =	swait.ge [sflag:s20], $0x80  }
0x75: {  	[sflag:s20] =	ssyncset.done $0x0  }
0x76: {  	[sflag:s20] =	ssyncadd.s32 $0xFFFFFF80  }
0x77: {  	[spmem:s2] =	stream.indirect.scatter.add.f32 [tilespmem:s13], [sflag:$0x5], $0x40, s15, s16, $0xb8;
	[tilespmem:$0x10900] =	vst v63  }
0x78: {  	_ =	swait.ge [sflag:s14], $0x2000  }
0x79: {  	[sflag:s14] =	ssyncset.done $0x0  }
0x7a: {  	[sflag:s14] =	ssyncadd.s32 $0xFFFFE000  }
0x7b: {  	_ =	swait.ge [sflag:s21], $0x2000  }
0x7c: {  	[sflag:s21] =	ssyncset.done $0x0  }
0x7d: {  	[sflag:s21] =	ssyncadd.s32 $0xFFFFE000  }
0x7e: {  	_ =	swait.ge [sflag:s22], $0x80  }
0x7f: {  	[sflag:s22] =	ssyncset.done $0x0  }
0x80: {  	[sflag:s22] =	ssyncadd.s32 $0xFFFFFF80  }
0x81: {  	[spmem:s2] =	stream.indirect.scatter.add.f32 [tilespmem:s17], [sflag:$0x5], $0x40, s18, s16, $0xb8;
	[tilespmem:$0x10900] =	vst v63  }
0x82: {  	_ =	swait.ge [sflag:s14], $0x2000  }
0x83: {  	s26 =	sadd.s32 $0x1, s26;
	[sflag:s14] =	ssyncset.done $0x0  }
0x84: {  	s31 =	sshll.u32 s0, $0x6;
	p0 =	sne.s32 s26, s8;
	[sflag:s14] =	ssyncadd.s32 $0xFFFFE000  }
.Ltmp2:
0x85: {  	s1 =	sor.u32 $0x1C05, s31;
	[bflag:$0x0] =	sbarrier.arrive $0xFFFF;
	(pc) =	sbr.rel @p0 .LBB2_1-.Ltmp2, $4  }
0x86: {  	[hbm:s23], [sflag:s1] =	dma.local [spmem:s25], $0x1400  }
0x87: {  	_ =	swait.ge [sflag:s14], $0x1400  }
0x88: {  	[sflag:s14] =	ssyncset.done $0x0  }
0x89: {  	[sflag:s14] =	ssyncadd.s32 $0xFFFFEC00  }
0x8a: {  	_ =	sfence.sel $0x180000  }
0x8b: {  	[bflag:$0x0] =	sbarrier.arrive $0xFFFF  }
0x8c: {  	_ =	strace $0x9000004D  }
0x8d: {  	[bflag:$0x2] =	sbarrier.arrive $0xFFFF  }
0x8e: {  	p0 =	sne.s32 s0, $0x0;
	s0 =	rddreg [dreg:$0x3]  }
0x8f: {  	s0 =	sadd.s32 @!p0 $0x100000, s0  }
0x90: {  	[sflag:s0] =	ssyncadd.tile.s32 @!p0 $0x1;
	_ =	shalt  }
.Lfunc_end2:
_tile_overlayer_lowered:
.L_overlay_start_2:
0x91: {  	(tag) =	ssettag $0x2  }
0x92: {  	s0 =	rddreg [dreg:$0x0];
	s2 =	stileid.u32  }
0x93: {  	s1 =	rddreg [dreg:$0x1];
	p0 =	sne.s32 s2, $0x0  }
0x94: {  	s3 =	rddreg [dreg:$0x2];
	[bflag:$0x3] =	sbarrier.arrive $0xFFFF;
	s2 =	simm.s32 @!p0 $0x1C05  }
0x95: {  	[timem:s3], [sflag:s2] =	dma.local @!p0 [hbm:s0], s1  }
0x96: {  	s0 =	simm.s32 @!p0 $0x5  }
0x97: {  	_ =	swait.ge @!p0 [sflag:s0], s1  }
0x98: {  	s1 =	ssub.s32 @!p0 $0x0, s1;
	[sflag:s0] =	ssyncset.done @!p0 $0x0  }
0x99: {  	[sflag:s0] =	ssyncadd.s32 @!p0 s1  }
0x9a: {  	[bflag:$0x3] =	sbarrier.arrive $0xFFFF  }
0x9b: {  	_ =	shalt  }

</sc_bundles>
